<compile_context>
chip_gen: v7x
topology: tpu7x:2x2x1
jax: 0.10.2.dev20260603
libtpu: 0.0.44.dev20260713+nightly
codegen_flags: <defaults>
</compile_context>

<pallas_src>
import functools

import jax
import jax.numpy as jnp
from jax import lax
from jax.experimental import pallas as pl
from jax.experimental.pallas import tpu as pltpu
from jax.experimental.pallas import tpu_sc as plsc

_N = 50000
_E = 800000
_H = 64
_RB = 784
_NGRID = 64
_NTILES = 16
_EB = 128
_NBLK = 392
_EPT = _NBLK * _EB
_NCHUNK = 4
_Q = 12544
_ACC = 12800
_DUMMY = _Q
_GB = 56
_NGRP = 7
_ZR = 32
_ZC = 25
_OROWS = _Q // _NTILES



def _mk_m128(h, w_rel):
    m = jnp.dot(h, w_rel, preferred_element_type=jnp.float32)
    return jnp.concatenate([m, jnp.zeros_like(m)], axis=1)


def _tc1_body(x_ref, wpre_ref, bpre_ref, wrel_ref, wroot_ref, m_ref, r_ref):
    h = jnp.maximum(
        jnp.dot(x_ref[...], wpre_ref[...], preferred_element_type=jnp.float32)
        + bpre_ref[...], 0.0)
    m_ref[...] = _mk_m128(h, wrel_ref[...])
    r_ref[...] = jnp.dot(h, wroot_ref[...], preferred_element_type=jnp.float32)


def _tc2_body(agg_ref, r_ref, brel_ref, wrel_ref, wroot_ref, m_ref, rout_ref):
    h = jnp.maximum(agg_ref[:, :_H] + brel_ref[...] + r_ref[...], 0.0)
    m_ref[...] = _mk_m128(h, wrel_ref[...])
    rout_ref[...] = jnp.dot(h, wroot_ref[...],
                            preferred_element_type=jnp.float32)


def _tc3_body(agg_ref, r_ref, brel_ref, wpost_ref, bpost_ref, out_ref):
    h = jnp.maximum(agg_ref[:, :_H] + brel_ref[...] + r_ref[...], 0.0)
    out_ref[...] = jnp.maximum(
        jnp.dot(h, wpost_ref[...], preferred_element_type=jnp.float32)
        + bpost_ref[...], 0.0)


def _tc1(x8, w8, bpre, wrel, wroot):
    return pl.pallas_call(
        _tc1_body,
        grid=(_NGRID,),
        in_specs=[
            pl.BlockSpec((_RB, 8), lambda i: (i, 0)),
            pl.BlockSpec((8, _H), lambda i: (0, 0)),
            pl.BlockSpec((1, _H), lambda i: (0, 0)),
            pl.BlockSpec((_H, _H), lambda i: (0, 0)),
            pl.BlockSpec((_H, _H), lambda i: (0, 0)),
        ],
        out_specs=[
            pl.BlockSpec((_RB, 2 * _H), lambda i: (i, 0)),
            pl.BlockSpec((_RB, _H), lambda i: (i, 0)),
        ],
        out_shape=[
            jax.ShapeDtypeStruct((_N, 2 * _H), jnp.float32),
            jax.ShapeDtypeStruct((_N, _H), jnp.float32),
        ],
    )(x8, w8, bpre, wrel, wroot)


def _tc2(agg, r, brel, wrel, wroot):
    return pl.pallas_call(
        _tc2_body,
        grid=(_NGRID,),
        in_specs=[
            pl.BlockSpec((_RB, 2 * _H), lambda i: (i, 0)),
            pl.BlockSpec((_RB, _H), lambda i: (i, 0)),
            pl.BlockSpec((1, _H), lambda i: (0, 0)),
            pl.BlockSpec((_H, _H), lambda i: (0, 0)),
            pl.BlockSpec((_H, _H), lambda i: (0, 0)),
        ],
        out_specs=[
            pl.BlockSpec((_RB, 2 * _H), lambda i: (i, 0)),
            pl.BlockSpec((_RB, _H), lambda i: (i, 0)),
        ],
        out_shape=[
            jax.ShapeDtypeStruct((_N, 2 * _H), jnp.float32),
            jax.ShapeDtypeStruct((_N, _H), jnp.float32),
        ],
    )(agg, r, brel, wrel, wroot)


def _tc3(agg, r, brel, wpost, bpost):
    return pl.pallas_call(
        _tc3_body,
        grid=(_NGRID,),
        in_specs=[
            pl.BlockSpec((_RB, 2 * _H), lambda i: (i, 0)),
            pl.BlockSpec((_RB, _H), lambda i: (i, 0)),
            pl.BlockSpec((1, _H), lambda i: (0, 0)),
            pl.BlockSpec((_H, 2), lambda i: (0, 0)),
            pl.BlockSpec((1, 2), lambda i: (0, 0)),
        ],
        out_specs=[pl.BlockSpec((_RB, 2), lambda i: (i, 0))],
        out_shape=[jax.ShapeDtypeStruct((_N, 2), jnp.float32)],
    )(agg, r, brel, wpost, bpost)



def _seg(m128, pk4):
    mesh = plsc.VectorSubcoreMesh(core_axis_name="c", subcore_axis_name="s")

    @functools.partial(
        pl.kernel,
        out_type=jax.ShapeDtypeStruct((_NCHUNK * _Q, 2 * _H), jnp.float32),
        mesh=mesh,
        scratch_types=[
            pltpu.VMEM((_GB, _EB), jnp.int32),
            pltpu.VMEM((_EB,), jnp.int32),
            pltpu.VMEM((_EB,), jnp.int32),
            pltpu.VMEM((_EB, 2 * _H), jnp.float32),
            pltpu.VMEM((_ZR, 2 * _H), jnp.float32),
            pltpu.VMEM_SHARED((_ACC, 2 * _H), jnp.float32),
        ],
    )
    def seg(m_hbm, pk_hbm, out_hbm, pkv, srcv, dstv, rows, zbuf, acc):
        c = lax.axis_index("c")
        s = lax.axis_index("s")

        zvec = jnp.zeros((16,), jnp.float32)

        def _zb(i, carry):
            def _zl(j, carry2):
                zbuf[i, pl.ds(j * 16, 16)] = zvec
                return carry2
            return lax.fori_loop(0, 8, _zl, carry)

        lax.fori_loop(0, _ZR, _zb, 0)

        for p in range(_NCHUNK // 2):
            q = 2 * p + c
            tilebase = s * (_ACC // _NTILES)

            def _za(i, carry):
                pltpu.sync_copy(zbuf, acc.at[pl.ds(tilebase + i * _ZR, _ZR)])
                return carry

            lax.fori_loop(0, _ZC, _za, 0)
            plsc.subcore_barrier()

            def _grp(g, carry):
                pltpu.sync_copy(pk_hbm.at[q, s].at[pl.ds(g * _GB, _GB)], pkv)

                def _body(b, carry2):
                    for kk in range(8):
                        v = pkv[b, pl.ds(kk * 16, 16)]
                        srcv[pl.ds(kk * 16, 16)] = v & 0xFFFF
                        dstv[pl.ds(kk * 16, 16)] = lax.shift_right_logical(
                            v, 16)
                    pltpu.sync_copy(m_hbm.at[srcv], rows)
                    pltpu.sync_copy(rows, acc.at[dstv], add=True)
                    return carry2

                return lax.fori_loop(0, _GB, _body, carry)

            lax.fori_loop(0, _NGRP, _grp, 0)
            plsc.subcore_barrier()

            pltpu.sync_copy(
                acc.at[pl.ds(s * _OROWS, _OROWS)],
                out_hbm.at[pl.ds(q * _Q + s * _OROWS, _OROWS)])
            plsc.subcore_barrier()

    return seg(m128, pk4)


def kernel(x, edge_index, W_pre, b_pre, W_rel0, b_rel0, W_root0,
           W_rel1, b_rel1, W_root1, W_post, b_post):
    src = edge_index[0]
    dst = edge_index[1]
    pad = _NTILES * _EPT - _E
    srcp = jnp.concatenate([src, jnp.zeros((pad,), jnp.int32)])
    dstp = jnp.concatenate([dst, jnp.full((pad,), -1, jnp.int32)])
    pks = []
    for qq in range(_NCHUNK):
        base = qq * _Q
        inq = (dstp >= base) & (dstp < base + _Q)
        dloc = jnp.where(inq, dstp - base,
                         _DUMMY + (dstp & 255)).astype(jnp.int32)
        pks.append(srcp | (dloc << 16))
    pk4 = jnp.stack(pks).reshape(_NCHUNK, _NTILES, _NBLK, _EB)

    x8 = jnp.pad(x, ((0, 0), (0, 5)))
    w8 = jnp.pad(W_pre, ((0, 5), (0, 0)))

    m0, r0 = _tc1(x8, w8, b_pre.reshape(1, _H), W_rel0, W_root0)
    agg0 = _seg(m0, pk4)
    m1, r1 = _tc2(agg0, r0, b_rel0.reshape(1, _H), W_rel1, W_root1)
    agg1 = _seg(m1, pk4)
    (out,) = _tc3(agg1, r1, b_rel1.reshape(1, _H), W_post,
                  b_post.reshape(1, 2))
    return out

# --- scband reference (transcript-rebuilt; emitter-appended) ---
"""Pipeline reference for scband-custom-gnn-34050500722941 (READ-ONLY COPY).

The authoritative reference and input builder live on the scoring server;
editing this copy changes nothing except your own understanding.
"""

import jax, jax.numpy as jnp
import numpy as np

N = 50000
E = 800000
H = 64


def setup_inputs(seed: int = 0) -> dict:
    key = jax.random.key(seed)
    ks = jax.random.split(key, 14)
    x = jax.random.normal(ks[0], (N, 3), dtype=jnp.float32)
    edge_index = jax.random.randint(ks[1], (2, E), 0, N, dtype=jnp.int32)
    # pre-MP linear (3 -> H)
    W_pre = jax.random.normal(ks[2], (3, H), dtype=jnp.float32) * 0.1
    b_pre = jnp.zeros((H,), dtype=jnp.float32)
    # GraphConv 0 (H -> H): lin_rel (with bias) applied to aggregated neighbors, lin_root (no bias) to self
    W_rel0 = jax.random.normal(ks[3], (H, H), dtype=jnp.float32) * 0.1
    b_rel0 = jnp.zeros((H,), dtype=jnp.float32)
    W_root0 = jax.random.normal(ks[4], (H, H), dtype=jnp.float32) * 0.1
    # GraphConv 1 (H -> H)
    W_rel1 = jax.random.normal(ks[5], (H, H), dtype=jnp.float32) * 0.1
    b_rel1 = jnp.zeros((H,), dtype=jnp.float32)
    W_root1 = jax.random.normal(ks[6], (H, H), dtype=jnp.float32) * 0.1
    # post-MP linear (H -> 2)
    W_post = jax.random.normal(ks[7], (H, 2), dtype=jnp.float32) * 0.1
    b_post = jnp.zeros((2,), dtype=jnp.float32)
    return {
        "x": x,
        "edge_index": edge_index,
        "W_pre": W_pre, "b_pre": b_pre,
        "W_rel0": W_rel0, "b_rel0": b_rel0, "W_root0": W_root0,
        "W_rel1": W_rel1, "b_rel1": b_rel1, "W_root1": W_root1,
        "W_post": W_post, "b_post": b_post,
    }


def _graph_conv(h, src, dst, W_rel, b_rel, W_root):
    # PyG GraphConv with aggr='add': out = lin_rel(sum_{j in N(i)} x_j) + lin_root(x_i)
    msg = h[src]                                         # gather over edges
    agg = jax.ops.segment_sum(msg, dst, num_segments=N)  # scatter-add to dst nodes
    return agg @ W_rel + b_rel + h @ W_root


def reference(x, edge_index, W_pre, b_pre, W_rel0, b_rel0, W_root0, W_rel1, b_rel1, W_root1, W_post, b_post):
    src = edge_index[0]
    dst = edge_index[1]
    # pre-MP
    h = jax.nn.relu(x @ W_pre + b_pre)
    # MP layers (layer_type='graph', batch_norm=False, activation='relu')
    h = jax.nn.relu(_graph_conv(h, src, dst, W_rel0, b_rel0, W_root0))
    h = jax.nn.relu(_graph_conv(h, src, dst, W_rel1, b_rel1, W_root1))
    # post-MP
    out = jax.nn.relu(h @ W_post + b_post)
    return out

if __name__ == "__main__":
    import jax
    _d = setup_inputs()
    print(jax.jit(kernel)(*tuple(_d.values())))

</pallas_src>

<mosaic_0001>
#map = affine_map<(d0, d1) -> (0, 0)>
#map1 = affine_map<(d0, d1) -> (0, 0, 0, 0)>
module attributes {stable_mosaic.version = 14 : i64} {
  func.func @seg(%arg0: i32, %arg1: i32, %arg2: memref<50000x128xf32, #tpu.memory_space<hbm>>, %arg3: memref<4x16x392x128xi32, #tpu.memory_space<hbm>>, %arg4: memref<50176x128xf32, #tpu.memory_space<hbm>>, %arg5: memref<56x128xi32, #tpu.memory_space<vmem>>, %arg6: memref<128xi32, #tpu.memory_space<vmem>>, %arg7: memref<128xi32, #tpu.memory_space<vmem>>, %arg8: memref<128x128xf32, #tpu.memory_space<vmem>>, %arg9: memref<32x128xf32, #tpu.memory_space<vmem>>, %arg10: memref<12800x128xf32, #tpu.memory_space<vmem_shared>>) attributes {dimension_semantics = [#tpu.dimension_semantics<core_parallel>, #tpu.dimension_semantics<subcore_parallel>], iteration_bounds = array<i64: 2, 16>, scalar_prefetch = 0 : i64, scratch_operands = 6 : i64, tpu.core_type = #tpu.core_type<sc_vector_subcore>, window_params = [{transform_indices = #map}, {transform_indices = #map1}, {transform_indices = #map}]} {
    %broadcast_in_dim3A = arith.constant 0.000000e+00 : f32
    %broadcast_in_dim3A_0 = vector.broadcast %broadcast_in_dim3A : f32 to vector<16xf32>
    %scan3A = arith.constant 0 : i32
    %scan3A_1 = arith.constant 0 : i32
    %scan3A_2 = arith.constant 32 : i32
    %scan3A_3 = arith.addi %scan3A_1, %scan3A_2 : i32
    %scan3A_4 = arith.constant 1 : i32
    scf.for %scan3A_55 = %scan3A_1 to %scan3A_3 step %scan3A_4  : i32 {
      %scan3A_56 = arith.constant 0 : i32
      %scan3A_57 = arith.constant 8 : i32
      %scan3A_58 = arith.addi %scan3A_56, %scan3A_57 : i32
      %scan3A_59 = arith.constant 1 : i32
      scf.for %scan3A_61 = %scan3A_56 to %scan3A_58 step %scan3A_59  : i32 {
        %mul3A_62 = arith.constant 16 : i32
        %mul3A_63 = arith.muli %scan3A_61, %mul3A_62 : i32
        %swap3A = arith.index_cast %scan3A_55 : i32 to index
        %swap3A_64 = arith.index_cast %mul3A_63 : i32 to index
        %swap3A_65 = tpu.vector_load %arg9[%swap3A, %swap3A_64] {strides = array<i32>} : memref<32x128xf32, #tpu.memory_space<vmem>>, vector<1x16xf32>,
        %swap3A_66 = vector.shape_cast %swap3A_65 : vector<1x16xf32> to vector<16xf32>
        %swap3A_67 = vector.shape_cast %broadcast_in_dim3A_0 : vector<16xf32> to vector<1x16xf32>
        tpu.vector_store %arg9[%swap3A, %swap3A_64], %swap3A_67 {strides = array<i32>} : memref<32x128xf32, #tpu.memory_space<vmem>>, vector<1x16xf32>,
      }
      %scan3A_60 = arith.constant 8 : i32
    }
    %scan3A_5 = arith.constant 32 : i32
    %add3A = arith.constant 0 : i32
    %add3A_6 = arith.addi %add3A, %arg0 : i32
    %mul3A = arith.constant 800 : i32
    %mul3A_7 = arith.muli %arg1, %mul3A : i32
    %scan3A_8 = arith.constant 0 : i32
    %scan3A_9 = arith.constant 0 : i32
    %scan3A_10 = arith.constant 25 : i32
    %scan3A_11 = arith.addi %scan3A_9, %scan3A_10 : i32
    %scan3A_12 = arith.constant 1 : i32
    scf.for %scan3A_55 = %scan3A_9 to %scan3A_11 step %scan3A_12  : i32 {
      %mul3A_56 = arith.constant 32 : i32
      %mul3A_57 = arith.muli %scan3A_55, %mul3A_56 : i32
      %add3A_58 = arith.addi %mul3A_7, %mul3A_57 : i32
      "tpu.region"() ({
        %run_scoped3A = tpu.sem_alloc : memref<!tpu.dma_semaphore, #tpu.memory_space<semaphore_mem>>
        %dma_start3A = arith.constant 0 : i32
        %dma_start3A_59 = tpu.memref_slice %arg10[%add3A_58, %dma_start3A] : memref<12800x128xf32, #tpu.memory_space<vmem_shared>> -> memref<32x128xf32, #tpu.memory_space<vmem_shared>>
        %dma_start3A_60 = arith.constant 0 : i32
        %dma_start3A_61 = tpu.memref_slice %arg10[%add3A_58, %dma_start3A_60] : memref<12800x128xf32, #tpu.memory_space<vmem_shared>> -> memref<32x128xf32, #tpu.memory_space<vmem_shared>>
        tpu.enqueue_dma source(%arg9 : memref<32x128xf32, #tpu.memory_space<vmem>>) target(%dma_start3A_61 : memref<32x128xf32, #tpu.memory_space<vmem_shared>>) target_semaphore(%run_scoped3A : memref<!tpu.dma_semaphore, #tpu.memory_space<semaphore_mem>>)
        %dma_wait3A = arith.constant 0 : i32
        %dma_wait3A_62 = tpu.memref_slice %arg10[%add3A_58, %dma_wait3A] : memref<12800x128xf32, #tpu.memory_space<vmem_shared>> -> memref<32x128xf32, #tpu.memory_space<vmem_shared>>
        %dma_wait3A_63 = arith.constant 0 : i32
        %dma_wait3A_64 = tpu.memref_slice %arg10[%add3A_58, %dma_wait3A_63] : memref<12800x128xf32, #tpu.memory_space<vmem_shared>> -> memref<32x128xf32, #tpu.memory_space<vmem_shared>>
        tpu.wait_dma2 semaphore(%run_scoped3A : memref<!tpu.dma_semaphore, #tpu.memory_space<semaphore_mem>>) src(%arg9 : memref<32x128xf32, #tpu.memory_space<vmem>>) dst(%dma_wait3A_64 : memref<32x128xf32, #tpu.memory_space<vmem_shared>>)
        tpu.yield
      }) : () -> ()
    }
    %scan3A_13 = arith.constant 25 : i32
    %barrier3A = arith.constant 0 : index
    tpu.barrier barrier_id(%barrier3A)
    %scan3A_14 = arith.constant 0 : i32
    %scan3A_15 = arith.constant 0 : i32
    %scan3A_16 = arith.constant 7 : i32
    %scan3A_17 = arith.addi %scan3A_15, %scan3A_16 : i32
    %scan3A_18 = arith.constant 1 : i32
    scf.for %scan3A_55 = %scan3A_15 to %scan3A_17 step %scan3A_18  : i32 {
      %mul3A_56 = arith.constant 56 : i32
      %mul3A_57 = arith.muli %scan3A_55, %mul3A_56 : i32
      "tpu.region"() ({
        %run_scoped3A = tpu.sem_alloc : memref<!tpu.dma_semaphore, #tpu.memory_space<semaphore_mem>>
        %dma_start3A = arith.constant 0 : i32
        %dma_start3A_63 = arith.constant 0 : i32
        %dma_start3A_64 = tpu.memref_slice %arg3[%add3A_6, %arg1, %dma_start3A, %dma_start3A_63] : memref<4x16x392x128xi32, #tpu.memory_space<hbm>> -> memref<1x1x392x128xi32, #tpu.memory_space<hbm>>
        %dma_start3A_65 = tpu.memref_squeeze %dma_start3A_64 : memref<1x1x392x128xi32, #tpu.memory_space<hbm>> -> memref<392x128xi32, #tpu.memory_space<hbm>>
        %dma_start3A_66 = arith.constant 0 : i32
        %dma_start3A_67 = tpu.memref_slice %dma_start3A_65[%mul3A_57, %dma_start3A_66] : memref<392x128xi32, #tpu.memory_space<hbm>> -> memref<56x128xi32, #tpu.memory_space<hbm>>
        %dma_start3A_68 = arith.constant 0 : i32
        %dma_start3A_69 = arith.constant 0 : i32
        %dma_start3A_70 = tpu.memref_slice %arg3[%add3A_6, %arg1, %dma_start3A_68, %dma_start3A_69] : memref<4x16x392x128xi32, #tpu.memory_space<hbm>> -> memref<1x1x392x128xi32, #tpu.memory_space<hbm>>
        %dma_start3A_71 = tpu.memref_squeeze %dma_start3A_70 : memref<1x1x392x128xi32, #tpu.memory_space<hbm>> -> memref<392x128xi32, #tpu.memory_space<hbm>>
        %dma_start3A_72 = arith.constant 0 : i32
        %dma_start3A_73 = tpu.memref_slice %dma_start3A_71[%mul3A_57, %dma_start3A_72] : memref<392x128xi32, #tpu.memory_space<hbm>> -> memref<56x128xi32, #tpu.memory_space<hbm>>
        tpu.enqueue_dma source(%dma_start3A_73 : memref<56x128xi32, #tpu.memory_space<hbm>>) target(%arg5 : memref<56x128xi32, #tpu.memory_space<vmem>>) target_semaphore(%run_scoped3A : memref<!tpu.dma_semaphore, #tpu.memory_space<semaphore_mem>>)
        %dma_wait3A = arith.constant 0 : i32
        %dma_wait3A_74 = arith.constant 0 : i32
        %dma_wait3A_75 = tpu.memref_slice %arg3[%add3A_6, %arg1, %dma_wait3A, %dma_wait3A_74] : memref<4x16x392x128xi32, #tpu.memory_space<hbm>> -> memref<1x1x392x128xi32, #tpu.memory_space<hbm>>
        %dma_wait3A_76 = tpu.memref_squeeze %dma_wait3A_75 : memref<1x1x392x128xi32, #tpu.memory_space<hbm>> -> memref<392x128xi32, #tpu.memory_space<hbm>>
        %dma_wait3A_77 = arith.constant 0 : i32
        %dma_wait3A_78 = tpu.memref_slice %dma_wait3A_76[%mul3A_57, %dma_wait3A_77] : memref<392x128xi32, #tpu.memory_space<hbm>> -> memref<56x128xi32, #tpu.memory_space<hbm>>
        %dma_wait3A_79 = arith.constant 0 : i32
        %dma_wait3A_80 = arith.constant 0 : i32
        %dma_wait3A_81 = tpu.memref_slice %arg3[%add3A_6, %arg1, %dma_wait3A_79, %dma_wait3A_80] : memref<4x16x392x128xi32, #tpu.memory_space<hbm>> -> memref<1x1x392x128xi32, #tpu.memory_space<hbm>>
        %dma_wait3A_82 = tpu.memref_squeeze %dma_wait3A_81 : memref<1x1x392x128xi32, #tpu.memory_space<hbm>> -> memref<392x128xi32, #tpu.memory_space<hbm>>
        %dma_wait3A_83 = arith.constant 0 : i32
        %dma_wait3A_84 = tpu.memref_slice %dma_wait3A_82[%mul3A_57, %dma_wait3A_83] : memref<392x128xi32, #tpu.memory_space<hbm>> -> memref<56x128xi32, #tpu.memory_space<hbm>>
        tpu.wait_dma2 semaphore(%run_scoped3A : memref<!tpu.dma_semaphore, #tpu.memory_space<semaphore_mem>>) src(%dma_wait3A_84 : memref<56x128xi32, #tpu.memory_space<hbm>>) dst(%arg5 : memref<56x128xi32, #tpu.memory_space<vmem>>)
        tpu.yield
      }) : () -> ()
      %scan3A_58 = arith.constant 0 : i32
      %scan3A_59 = arith.constant 56 : i32
      %scan3A_60 = arith.addi %scan3A_58, %scan3A_59 : i32
      %scan3A_61 = arith.constant 1 : i32
      scf.for %scan3A_63 = %scan3A_58 to %scan3A_60 step %scan3A_61  : i32 {
        %get3A = arith.index_cast %scan3A_63 : i32 to index
        %get3A_64 = arith.constant 0 : index
        %get3A_65 = tpu.vector_load %arg5[%get3A, %get3A_64] {strides = array<i32>} : memref<56x128xi32, #tpu.memory_space<vmem>>, vector<1x16xi32>,
        %get3A_66 = vector.shape_cast %get3A_65 : vector<1x16xi32> to vector<16xi32>
        %and3A = arith.constant 65535 : i32
        %and3A_67 = vector.broadcast %and3A : i32 to vector<16xi32>
        %and3A_68 = arith.andi %get3A_66, %and3A_67 : vector<16xi32>
        %swap3A = arith.constant 0 : index
        %swap3A_69 = tpu.vector_load %arg6[%swap3A] {strides = array<i32>} : memref<128xi32, #tpu.memory_space<vmem>>, vector<16xi32>,
        %swap3A_70 = vector.shape_cast %swap3A_69 : vector<16xi32> to vector<16xi32>
        %swap3A_71 = vector.shape_cast %and3A_68 : vector<16xi32> to vector<16xi32>
        tpu.vector_store %arg6[%swap3A], %swap3A_71 {strides = array<i32>} : memref<128xi32, #tpu.memory_space<vmem>>, vector<16xi32>,
        %shift_right_logical3A = arith.constant 16 : i32
        %shift_right_logical3A_72 = vector.broadcast %shift_right_logical3A : i32 to vector<16xi32>
        %shift_right_logical3A_73 = arith.shrui %get3A_66, %shift_right_logical3A_72 : vector<16xi32>
        %swap3A_74 = arith.constant 0 : index
        %swap3A_75 = tpu.vector_load %arg7[%swap3A_74] {strides = array<i32>} : memref<128xi32, #tpu.memory_space<vmem>>, vector<16xi32>,
        %swap3A_76 = vector.shape_cast %swap3A_75 : vector<16xi32> to vector<16xi32>
        %swap3A_77 = vector.shape_cast %shift_right_logical3A_73 : vector<16xi32> to vector<16xi32>
        tpu.vector_store %arg7[%swap3A_74], %swap3A_77 {strides = array<i32>} : memref<128xi32, #tpu.memory_space<vmem>>, vector<16xi32>,
        %get3A_78 = arith.index_cast %scan3A_63 : i32 to index
        %get3A_79 = arith.constant 16 : index
        %get3A_80 = tpu.vector_load %arg5[%get3A_78, %get3A_79] {strides = array<i32>} : memref<56x128xi32, #tpu.memory_space<vmem>>, vector<1x16xi32>,
        %get3A_81 = vector.shape_cast %get3A_80 : vector<1x16xi32> to vector<16xi32>
        %and3A_82 = arith.constant 65535 : i32
        %and3A_83 = vector.broadcast %and3A_82 : i32 to vector<16xi32>
        %and3A_84 = arith.andi %get3A_81, %and3A_83 : vector<16xi32>
        %swap3A_85 = arith.constant 16 : index
        %swap3A_86 = tpu.vector_load %arg6[%swap3A_85] {strides = array<i32>} : memref<128xi32, #tpu.memory_space<vmem>>, vector<16xi32>,
        %swap3A_87 = vector.shape_cast %swap3A_86 : vector<16xi32> to vector<16xi32>
        %swap3A_88 = vector.shape_cast %and3A_84 : vector<16xi32> to vector<16xi32>
        tpu.vector_store %arg6[%swap3A_85], %swap3A_88 {strides = array<i32>} : memref<128xi32, #tpu.memory_space<vmem>>, vector<16xi32>,
        %shift_right_logical3A_89 = arith.constant 16 : i32
        %shift_right_logical3A_90 = vector.broadcast %shift_right_logical3A_89 : i32 to vector<16xi32>
        %shift_right_logical3A_91 = arith.shrui %get3A_81, %shift_right_logical3A_90 : vector<16xi32>
        %swap3A_92 = arith.constant 16 : index
        %swap3A_93 = tpu.vector_load %arg7[%swap3A_92] {strides = array<i32>} : memref<128xi32, #tpu.memory_space<vmem>>, vector<16xi32>,
        %swap3A_94 = vector.shape_cast %swap3A_93 : vector<16xi32> to vector<16xi32>
        %swap3A_95 = vector.shape_cast %shift_right_logical3A_91 : vector<16xi32> to vector<16xi32>
        tpu.vector_store %arg7[%swap3A_92], %swap3A_95 {strides = array<i32>} : memref<128xi32, #tpu.memory_space<vmem>>, vector<16xi32>,
        %get3A_96 = arith.index_cast %scan3A_63 : i32 to index
        %get3A_97 = arith.constant 32 : index
        %get3A_98 = tpu.vector_load %arg5[%get3A_96, %get3A_97] {strides = array<i32>} : memref<56x128xi32, #tpu.memory_space<vmem>>, vector<1x16xi32>,
        %get3A_99 = vector.shape_cast %get3A_98 : vector<1x16xi32> to vector<16xi32>
        %and3A_100 = arith.constant 65535 : i32
        %and3A_101 = vector.broadcast %and3A_100 : i32 to vector<16xi32>
        %and3A_102 = arith.andi %get3A_99, %and3A_101 : vector<16xi32>
        %swap3A_103 = arith.constant 32 : index
        %swap3A_104 = tpu.vector_load %arg6[%swap3A_103] {strides = array<i32>} : memref<128xi32, #tpu.memory_space<vmem>>, vector<16xi32>,
        %swap3A_105 = vector.shape_cast %swap3A_104 : vector<16xi32> to vector<16xi32>
        %swap3A_106 = vector.shape_cast %and3A_102 : vector<16xi32> to vector<16xi32>
        tpu.vector_store %arg6[%swap3A_103], %swap3A_106 {strides = array<i32>} : memref<128xi32, #tpu.memory_space<vmem>>, vector<16xi32>,
        %shift_right_logical3A_107 = arith.constant 16 : i32
        %shift_right_logical3A_108 = vector.broadcast %shift_right_logical3A_107 : i32 to vector<16xi32>
        %shift_right_logical3A_109 = arith.shrui %get3A_99, %shift_right_logical3A_108 : vector<16xi32>
        %swap3A_110 = arith.constant 32 : index
        %swap3A_111 = tpu.vector_load %arg7[%swap3A_110] {strides = array<i32>} : memref<128xi32, #tpu.memory_space<vmem>>, vector<16xi32>,
        %swap3A_112 = vector.shape_cast %swap3A_111 : vector<16xi32> to vector<16xi32>
        %swap3A_113 = vector.shape_cast %shift_right_logical3A_109 : vector<16xi32> to vector<16xi32>
        tpu.vector_store %arg7[%swap3A_110], %swap3A_113 {strides = array<i32>} : memref<128xi32, #tpu.memory_space<vmem>>, vector<16xi32>,
        %get3A_114 = arith.index_cast %scan3A_63 : i32 to index
        %get3A_115 = arith.constant 48 : index
        %get3A_116 = tpu.vector_load %arg5[%get3A_114, %get3A_115] {strides = array<i32>} : memref<56x128xi32, #tpu.memory_space<vmem>>, vector<1x16xi32>,
        %get3A_117 = vector.shape_cast %get3A_116 : vector<1x16xi32> to vector<16xi32>
        %and3A_118 = arith.constant 65535 : i32
        %and3A_119 = vector.broadcast %and3A_118 : i32 to vector<16xi32>
        %and3A_120 = arith.andi %get3A_117, %and3A_119 : vector<16xi32>
        %swap3A_121 = arith.constant 48 : index
        %swap3A_122 = tpu.vector_load %arg6[%swap3A_121] {strides = array<i32>} : memref<128xi32, #tpu.memory_space<vmem>>, vector<16xi32>,
        %swap3A_123 = vector.shape_cast %swap3A_122 : vector<16xi32> to vector<16xi32>
        %swap3A_124 = vector.shape_cast %and3A_120 : vector<16xi32> to vector<16xi32>
        tpu.vector_store %arg6[%swap3A_121], %swap3A_124 {strides = array<i32>} : memref<128xi32, #tpu.memory_space<vmem>>, vector<16xi32>,
        %shift_right_logical3A_125 = arith.constant 16 : i32
        %shift_right_logical3A_126 = vector.broadcast %shift_right_logical3A_125 : i32 to vector<16xi32>
        %shift_right_logical3A_127 = arith.shrui %get3A_117, %shift_right_logical3A_126 : vector<16xi32>
        %swap3A_128 = arith.constant 48 : index
        %swap3A_129 = tpu.vector_load %arg7[%swap3A_128] {strides = array<i32>} : memref<128xi32, #tpu.memory_space<vmem>>, vector<16xi32>,
        %swap3A_130 = vector.shape_cast %swap3A_129 : vector<16xi32> to vector<16xi32>
        %swap3A_131 = vector.shape_cast %shift_right_logical3A_127 : vector<16xi32> to vector<16xi32>
        tpu.vector_store %arg7[%swap3A_128], %swap3A_131 {strides = array<i32>} : memref<128xi32, #tpu.memory_space<vmem>>, vector<16xi32>,
        %get3A_132 = arith.index_cast %scan3A_63 : i32 to index
        %get3A_133 = arith.constant 64 : index
        %get3A_134 = tpu.vector_load %arg5[%get3A_132, %get3A_133] {strides = array<i32>} : memref<56x128xi32, #tpu.memory_space<vmem>>, vector<1x16xi32>,
        %get3A_135 = vector.shape_cast %get3A_134 : vector<1x16xi32> to vector<16xi32>
        %and3A_136 = arith.constant 65535 : i32
        %and3A_137 = vector.broadcast %and3A_136 : i32 to vector<16xi32>
        %and3A_138 = arith.andi %get3A_135, %and3A_137 : vector<16xi32>
        %swap3A_139 = arith.constant 64 : index
        %swap3A_140 = tpu.vector_load %arg6[%swap3A_139] {strides = array<i32>} : memref<128xi32, #tpu.memory_space<vmem>>, vector<16xi32>,
        %swap3A_141 = vector.shape_cast %swap3A_140 : vector<16xi32> to vector<16xi32>
        %swap3A_142 = vector.shape_cast %and3A_138 : vector<16xi32> to vector<16xi32>
        tpu.vector_store %arg6[%swap3A_139], %swap3A_142 {strides = array<i32>} : memref<128xi32, #tpu.memory_space<vmem>>, vector<16xi32>,
        %shift_right_logical3A_143 = arith.constant 16 : i32
        %shift_right_logical3A_144 = vector.broadcast %shift_right_logical3A_143 : i32 to vector<16xi32>
        %shift_right_logical3A_145 = arith.shrui %get3A_135, %shift_right_logical3A_144 : vector<16xi32>
        %swap3A_146 = arith.constant 64 : index
        %swap3A_147 = tpu.vector_load %arg7[%swap3A_146] {strides = array<i32>} : memref<128xi32, #tpu.memory_space<vmem>>, vector<16xi32>,
        %swap3A_148 = vector.shape_cast %swap3A_147 : vector<16xi32> to vector<16xi32>
        %swap3A_149 = vector.shape_cast %shift_right_logical3A_145 : vector<16xi32> to vector<16xi32>
        tpu.vector_store %arg7[%swap3A_146], %swap3A_149 {strides = array<i32>} : memref<128xi32, #tpu.memory_space<vmem>>, vector<16xi32>,
        %get3A_150 = arith.index_cast %scan3A_63 : i32 to index
        %get3A_151 = arith.constant 80 : index
        %get3A_152 = tpu.vector_load %arg5[%get3A_150, %get3A_151] {strides = array<i32>} : memref<56x128xi32, #tpu.memory_space<vmem>>, vector<1x16xi32>,
        %get3A_153 = vector.shape_cast %get3A_152 : vector<1x16xi32> to vector<16xi32>
        %and3A_154 = arith.constant 65535 : i32
        %and3A_155 = vector.broadcast %and3A_154 : i32 to vector<16xi32>
        %and3A_156 = arith.andi %get3A_153, %and3A_155 : vector<16xi32>
        %swap3A_157 = arith.constant 80 : index
        %swap3A_158 = tpu.vector_load %arg6[%swap3A_157] {strides = array<i32>} : memref<128xi32, #tpu.memory_space<vmem>>, vector<16xi32>,
        %swap3A_159 = vector.shape_cast %swap3A_158 : vector<16xi32> to vector<16xi32>
        %swap3A_160 = vector.shape_cast %and3A_156 : vector<16xi32> to vector<16xi32>
        tpu.vector_store %arg6[%swap3A_157], %swap3A_160 {strides = array<i32>} : memref<128xi32, #tpu.memory_space<vmem>>, vector<16xi32>,
        %shift_right_logical3A_161 = arith.constant 16 : i32
        %shift_right_logical3A_162 = vector.broadcast %shift_right_logical3A_161 : i32 to vector<16xi32>
        %shift_right_logical3A_163 = arith.shrui %get3A_153, %shift_right_logical3A_162 : vector<16xi32>
        %swap3A_164 = arith.constant 80 : index
        %swap3A_165 = tpu.vector_load %arg7[%swap3A_164] {strides = array<i32>} : memref<128xi32, #tpu.memory_space<vmem>>, vector<16xi32>,
        %swap3A_166 = vector.shape_cast %swap3A_165 : vector<16xi32> to vector<16xi32>
        %swap3A_167 = vector.shape_cast %shift_right_logical3A_163 : vector<16xi32> to vector<16xi32>
        tpu.vector_store %arg7[%swap3A_164], %swap3A_167 {strides = array<i32>} : memref<128xi32, #tpu.memory_space<vmem>>, vector<16xi32>,
        %get3A_168 = arith.index_cast %scan3A_63 : i32 to index
        %get3A_169 = arith.constant 96 : index
        %get3A_170 = tpu.vector_load %arg5[%get3A_168, %get3A_169] {strides = array<i32>} : memref<56x128xi32, #tpu.memory_space<vmem>>, vector<1x16xi32>,
        %get3A_171 = vector.shape_cast %get3A_170 : vector<1x16xi32> to vector<16xi32>
        %and3A_172 = arith.constant 65535 : i32
        %and3A_173 = vector.broadcast %and3A_172 : i32 to vector<16xi32>
        %and3A_174 = arith.andi %get3A_171, %and3A_173 : vector<16xi32>
        %swap3A_175 = arith.constant 96 : index
        %swap3A_176 = tpu.vector_load %arg6[%swap3A_175] {strides = array<i32>} : memref<128xi32, #tpu.memory_space<vmem>>, vector<16xi32>,
        %swap3A_177 = vector.shape_cast %swap3A_176 : vector<16xi32> to vector<16xi32>
        %swap3A_178 = vector.shape_cast %and3A_174 : vector<16xi32> to vector<16xi32>
        tpu.vector_store %arg6[%swap3A_175], %swap3A_178 {strides = array<i32>} : memref<128xi32, #tpu.memory_space<vmem>>, vector<16xi32>,
        %shift_right_logical3A_179 = arith.constant 16 : i32
        %shift_right_logical3A_180 = vector.broadcast %shift_right_logical3A_179 : i32 to vector<16xi32>
        %shift_right_logical3A_181 = arith.shrui %get3A_171, %shift_right_logical3A_180 : vector<16xi32>
        %swap3A_182 = arith.constant 96 : index
        %swap3A_183 = tpu.vector_load %arg7[%swap3A_182] {strides = array<i32>} : memref<128xi32, #tpu.memory_space<vmem>>, vector<16xi32>,
        %swap3A_184 = vector.shape_cast %swap3A_183 : vector<16xi32> to vector<16xi32>
        %swap3A_185 = vector.shape_cast %shift_right_logical3A_181 : vector<16xi32> to vector<16xi32>
        tpu.vector_store %arg7[%swap3A_182], %swap3A_185 {strides = array<i32>} : memref<128xi32, #tpu.memory_space<vmem>>, vector<16xi32>,
        %get3A_186 = arith.index_cast %scan3A_63 : i32 to index
        %get3A_187 = arith.constant 112 : index
        %get3A_188 = tpu.vector_load %arg5[%get3A_186, %get3A_187] {strides = array<i32>} : memref<56x128xi32, #tpu.memory_space<vmem>>, vector<1x16xi32>,
        %get3A_189 = vector.shape_cast %get3A_188 : vector<1x16xi32> to vector<16xi32>
        %and3A_190 = arith.constant 65535 : i32
        %and3A_191 = vector.broadcast %and3A_190 : i32 to vector<16xi32>
        %and3A_192 = arith.andi %get3A_189, %and3A_191 : vector<16xi32>
        %swap3A_193 = arith.constant 112 : index
        %swap3A_194 = tpu.vector_load %arg6[%swap3A_193] {strides = array<i32>} : memref<128xi32, #tpu.memory_space<vmem>>, vector<16xi32>,
        %swap3A_195 = vector.shape_cast %swap3A_194 : vector<16xi32> to vector<16xi32>
        %swap3A_196 = vector.shape_cast %and3A_192 : vector<16xi32> to vector<16xi32>
        tpu.vector_store %arg6[%swap3A_193], %swap3A_196 {strides = array<i32>} : memref<128xi32, #tpu.memory_space<vmem>>, vector<16xi32>,
        %shift_right_logical3A_197 = arith.constant 16 : i32
        %shift_right_logical3A_198 = vector.broadcast %shift_right_logical3A_197 : i32 to vector<16xi32>
        %shift_right_logical3A_199 = arith.shrui %get3A_189, %shift_right_logical3A_198 : vector<16xi32>
        %swap3A_200 = arith.constant 112 : index
        %swap3A_201 = tpu.vector_load %arg7[%swap3A_200] {strides = array<i32>} : memref<128xi32, #tpu.memory_space<vmem>>, vector<16xi32>,
        %swap3A_202 = vector.shape_cast %swap3A_201 : vector<16xi32> to vector<16xi32>
        %swap3A_203 = vector.shape_cast %shift_right_logical3A_199 : vector<16xi32> to vector<16xi32>
        tpu.vector_store %arg7[%swap3A_200], %swap3A_203 {strides = array<i32>} : memref<128xi32, #tpu.memory_space<vmem>>, vector<16xi32>,
        "tpu.region"() ({
          %run_scoped3A = tpu.sem_alloc : memref<!tpu.dma_semaphore, #tpu.memory_space<semaphore_mem>>
          %dma_start3A = arith.constant 0 : i32
          %dma_start3A_204 = arith.constant 0 : i32
          %dma_start3A_205 = tpu.memref_slice %arg2[%dma_start3A, %dma_start3A_204] : memref<50000x128xf32, #tpu.memory_space<hbm>> -> memref<50000x128xf32, #tpu.memory_space<hbm>>
          tpu.enqueue_indirect_dma source(%dma_start3A_205 : memref<50000x128xf32, #tpu.memory_space<hbm>>) target(%arg8 : memref<128x128xf32, #tpu.memory_space<vmem>>) offsets(%arg6 : memref<128xi32, #tpu.memory_space<vmem>>) semaphore(%run_scoped3A : memref<!tpu.dma_semaphore, #tpu.memory_space<semaphore_mem>>)
          %dma_wait3A = arith.constant 0 : i32
          %dma_wait3A_206 = arith.constant 0 : i32
          %dma_wait3A_207 = tpu.memref_slice %arg2[%dma_wait3A, %dma_wait3A_206] : memref<50000x128xf32, #tpu.memory_space<hbm>> -> memref<50000x128xf32, #tpu.memory_space<hbm>>
          tpu.wait_indirect_dma semaphore(%run_scoped3A : memref<!tpu.dma_semaphore, #tpu.memory_space<semaphore_mem>>) src(%dma_wait3A_207 : memref<50000x128xf32, #tpu.memory_space<hbm>>) dst(%arg8 : memref<128x128xf32, #tpu.memory_space<vmem>>)
          tpu.yield
        }) : () -> ()
        "tpu.region"() ({
          %run_scoped3A = tpu.sem_alloc : memref<!tpu.dma_semaphore, #tpu.memory_space<semaphore_mem>>
          %dma_start3A = arith.constant 0 : i32
          %dma_start3A_204 = arith.constant 0 : i32
          %dma_start3A_205 = tpu.memref_slice %arg10[%dma_start3A, %dma_start3A_204] : memref<12800x128xf32, #tpu.memory_space<vmem_shared>> -> memref<12800x128xf32, #tpu.memory_space<vmem_shared>>
          tpu.enqueue_indirect_dma source(%arg8 : memref<128x128xf32, #tpu.memory_space<vmem>>) target(%dma_start3A_205 : memref<12800x128xf32, #tpu.memory_space<vmem_shared>>) offsets(%arg7 : memref<128xi32, #tpu.memory_space<vmem>>) semaphore(%run_scoped3A : memref<!tpu.dma_semaphore, #tpu.memory_space<semaphore_mem>>) {add = true}
          %dma_wait3A = arith.constant 0 : i32
          %dma_wait3A_206 = arith.constant 0 : i32
          %dma_wait3A_207 = tpu.memref_slice %arg10[%dma_wait3A, %dma_wait3A_206] : memref<12800x128xf32, #tpu.memory_space<vmem_shared>> -> memref<12800x128xf32, #tpu.memory_space<vmem_shared>>
          tpu.wait_indirect_dma semaphore(%run_scoped3A : memref<!tpu.dma_semaphore, #tpu.memory_space<semaphore_mem>>) src(%arg8 : memref<128x128xf32, #tpu.memory_space<vmem>>) dst(%dma_wait3A_207 : memref<12800x128xf32, #tpu.memory_space<vmem_shared>>)
          tpu.yield
        }) : () -> ()
      }
      %scan3A_62 = arith.constant 56 : i32
    }
    %scan3A_19 = arith.constant 7 : i32
    %barrier3A_20 = arith.constant 0 : index
    tpu.barrier barrier_id(%barrier3A_20)
    %mul3A_21 = arith.constant 784 : i32
    %mul3A_22 = arith.muli %arg1, %mul3A_21 : i32
    %mul3A_23 = arith.constant 12544 : i32
    %mul3A_24 = arith.muli %add3A_6, %mul3A_23 : i32
    %mul3A_25 = arith.constant 784 : i32
    %mul3A_26 = arith.muli %arg1, %mul3A_25 : i32
    %add3A_27 = arith.addi %mul3A_24, %mul3A_26 : i32
    "tpu.region"() ({
      %run_scoped3A = tpu.sem_alloc : memref<!tpu.dma_semaphore, #tpu.memory_space<semaphore_mem>>
      %dma_start3A = arith.constant 0 : i32
      %dma_start3A_55 = tpu.memref_slice %arg4[%add3A_27, %dma_start3A] : memref<50176x128xf32, #tpu.memory_space<hbm>> -> memref<784x128xf32, #tpu.memory_space<hbm>>
      %dma_start3A_56 = arith.constant 0 : i32
      %dma_start3A_57 = tpu.memref_slice %arg10[%mul3A_22, %dma_start3A_56] : memref<12800x128xf32, #tpu.memory_space<vmem_shared>> -> memref<784x128xf32, #tpu.memory_space<vmem_shared>>
      tpu.enqueue_dma source(%dma_start3A_57 : memref<784x128xf32, #tpu.memory_space<vmem_shared>>) target(%dma_start3A_55 : memref<784x128xf32, #tpu.memory_space<hbm>>) target_semaphore(%run_scoped3A : memref<!tpu.dma_semaphore, #tpu.memory_space<semaphore_mem>>)
      %dma_wait3A = arith.constant 0 : i32
      %dma_wait3A_58 = tpu.memref_slice %arg4[%add3A_27, %dma_wait3A] : memref<50176x128xf32, #tpu.memory_space<hbm>> -> memref<784x128xf32, #tpu.memory_space<hbm>>
      %dma_wait3A_59 = arith.constant 0 : i32
      %dma_wait3A_60 = tpu.memref_slice %arg10[%mul3A_22, %dma_wait3A_59] : memref<12800x128xf32, #tpu.memory_space<vmem_shared>> -> memref<784x128xf32, #tpu.memory_space<vmem_shared>>
      tpu.wait_dma2 semaphore(%run_scoped3A : memref<!tpu.dma_semaphore, #tpu.memory_space<semaphore_mem>>) src(%dma_wait3A_60 : memref<784x128xf32, #tpu.memory_space<vmem_shared>>) dst(%dma_wait3A_58 : memref<784x128xf32, #tpu.memory_space<hbm>>)
      tpu.yield
    }) : () -> ()
    %barrier3A_28 = arith.constant 0 : index
    tpu.barrier barrier_id(%barrier3A_28)
    %add3A_29 = arith.constant 2 : i32
    %add3A_30 = arith.addi %add3A_29, %arg0 : i32
    %mul3A_31 = arith.constant 800 : i32
    %mul3A_32 = arith.muli %arg1, %mul3A_31 : i32
    %scan3A_33 = arith.constant 0 : i32
    %scan3A_34 = arith.constant 0 : i32
    %scan3A_35 = arith.constant 25 : i32
    %scan3A_36 = arith.addi %scan3A_34, %scan3A_35 : i32
    %scan3A_37 = arith.constant 1 : i32
    scf.for %scan3A_55 = %scan3A_34 to %scan3A_36 step %scan3A_37  : i32 {
      %mul3A_56 = arith.constant 32 : i32
      %mul3A_57 = arith.muli %scan3A_55, %mul3A_56 : i32
      %add3A_58 = arith.addi %mul3A_32, %mul3A_57 : i32
      "tpu.region"() ({
        %run_scoped3A = tpu.sem_alloc : memref<!tpu.dma_semaphore, #tpu.memory_space<semaphore_mem>>
        %dma_start3A = arith.constant 0 : i32
        %dma_start3A_59 = tpu.memref_slice %arg10[%add3A_58, %dma_start3A] : memref<12800x128xf32, #tpu.memory_space<vmem_shared>> -> memref<32x128xf32, #tpu.memory_space<vmem_shared>>
        %dma_start3A_60 = arith.constant 0 : i32
        %dma_start3A_61 = tpu.memref_slice %arg10[%add3A_58, %dma_start3A_60] : memref<12800x128xf32, #tpu.memory_space<vmem_shared>> -> memref<32x128xf32, #tpu.memory_space<vmem_shared>>
        tpu.enqueue_dma source(%arg9 : memref<32x128xf32, #tpu.memory_space<vmem>>) target(%dma_start3A_61 : memref<32x128xf32, #tpu.memory_space<vmem_shared>>) target_semaphore(%run_scoped3A : memref<!tpu.dma_semaphore, #tpu.memory_space<semaphore_mem>>)
        %dma_wait3A = arith.constant 0 : i32
        %dma_wait3A_62 = tpu.memref_slice %arg10[%add3A_58, %dma_wait3A] : memref<12800x128xf32, #tpu.memory_space<vmem_shared>> -> memref<32x128xf32, #tpu.memory_space<vmem_shared>>
        %dma_wait3A_63 = arith.constant 0 : i32
        %dma_wait3A_64 = tpu.memref_slice %arg10[%add3A_58, %dma_wait3A_63] : memref<12800x128xf32, #tpu.memory_space<vmem_shared>> -> memref<32x128xf32, #tpu.memory_space<vmem_shared>>
        tpu.wait_dma2 semaphore(%run_scoped3A : memref<!tpu.dma_semaphore, #tpu.memory_space<semaphore_mem>>) src(%arg9 : memref<32x128xf32, #tpu.memory_space<vmem>>) dst(%dma_wait3A_64 : memref<32x128xf32, #tpu.memory_space<vmem_shared>>)
        tpu.yield
      }) : () -> ()
    }
    %scan3A_38 = arith.constant 25 : i32
    %barrier3A_39 = arith.constant 0 : index
    tpu.barrier barrier_id(%barrier3A_39)
    %scan3A_40 = arith.constant 0 : i32
    %scan3A_41 = arith.constant 0 : i32
    %scan3A_42 = arith.constant 7 : i32
    %scan3A_43 = arith.addi %scan3A_41, %scan3A_42 : i32
    %scan3A_44 = arith.constant 1 : i32
    scf.for %scan3A_55 = %scan3A_41 to %scan3A_43 step %scan3A_44  : i32 {
      %mul3A_56 = arith.constant 56 : i32
      %mul3A_57 = arith.muli %scan3A_55, %mul3A_56 : i32
      "tpu.region"() ({
        %run_scoped3A = tpu.sem_alloc : memref<!tpu.dma_semaphore, #tpu.memory_space<semaphore_mem>>
        %dma_start3A = arith.constant 0 : i32
        %dma_start3A_63 = arith.constant 0 : i32
        %dma_start3A_64 = tpu.memref_slice %arg3[%add3A_30, %arg1, %dma_start3A, %dma_start3A_63] : memref<4x16x392x128xi32, #tpu.memory_space<hbm>> -> memref<1x1x392x128xi32, #tpu.memory_space<hbm>>
        %dma_start3A_65 = tpu.memref_squeeze %dma_start3A_64 : memref<1x1x392x128xi32, #tpu.memory_space<hbm>> -> memref<392x128xi32, #tpu.memory_space<hbm>>
        %dma_start3A_66 = arith.constant 0 : i32
        %dma_start3A_67 = tpu.memref_slice %dma_start3A_65[%mul3A_57, %dma_start3A_66] : memref<392x128xi32, #tpu.memory_space<hbm>> -> memref<56x128xi32, #tpu.memory_space<hbm>>
        %dma_start3A_68 = arith.constant 0 : i32
        %dma_start3A_69 = arith.constant 0 : i32
        %dma_start3A_70 = tpu.memref_slice %arg3[%add3A_30, %arg1, %dma_start3A_68, %dma_start3A_69] : memref<4x16x392x128xi32, #tpu.memory_space<hbm>> -> memref<1x1x392x128xi32, #tpu.memory_space<hbm>>
        %dma_start3A_71 = tpu.memref_squeeze %dma_start3A_70 : memref<1x1x392x128xi32, #tpu.memory_space<hbm>> -> memref<392x128xi32, #tpu.memory_space<hbm>>
        %dma_start3A_72 = arith.constant 0 : i32
        %dma_start3A_73 = tpu.memref_slice %dma_start3A_71[%mul3A_57, %dma_start3A_72] : memref<392x128xi32, #tpu.memory_space<hbm>> -> memref<56x128xi32, #tpu.memory_space<hbm>>
        tpu.enqueue_dma source(%dma_start3A_73 : memref<56x128xi32, #tpu.memory_space<hbm>>) target(%arg5 : memref<56x128xi32, #tpu.memory_space<vmem>>) target_semaphore(%run_scoped3A : memref<!tpu.dma_semaphore, #tpu.memory_space<semaphore_mem>>)
        %dma_wait3A = arith.constant 0 : i32
        %dma_wait3A_74 = arith.constant 0 : i32
        %dma_wait3A_75 = tpu.memref_slice %arg3[%add3A_30, %arg1, %dma_wait3A, %dma_wait3A_74] : memref<4x16x392x128xi32, #tpu.memory_space<hbm>> -> memref<1x1x392x128xi32, #tpu.memory_space<hbm>>
        %dma_wait3A_76 = tpu.memref_squeeze %dma_wait3A_75 : memref<1x1x392x128xi32, #tpu.memory_space<hbm>> -> memref<392x128xi32, #tpu.memory_space<hbm>>
        %dma_wait3A_77 = arith.constant 0 : i32
        %dma_wait3A_78 = tpu.memref_slice %dma_wait3A_76[%mul3A_57, %dma_wait3A_77] : memref<392x128xi32, #tpu.memory_space<hbm>> -> memref<56x128xi32, #tpu.memory_space<hbm>>
        %dma_wait3A_79 = arith.constant 0 : i32
        %dma_wait3A_80 = arith.constant 0 : i32
        %dma_wait3A_81 = tpu.memref_slice %arg3[%add3A_30, %arg1, %dma_wait3A_79, %dma_wait3A_80] : memref<4x16x392x128xi32, #tpu.memory_space<hbm>> -> memref<1x1x392x128xi32, #tpu.memory_space<hbm>>
        %dma_wait3A_82 = tpu.memref_squeeze %dma_wait3A_81 : memref<1x1x392x128xi32, #tpu.memory_space<hbm>> -> memref<392x128xi32, #tpu.memory_space<hbm>>
        %dma_wait3A_83 = arith.constant 0 : i32
        %dma_wait3A_84 = tpu.memref_slice %dma_wait3A_82[%mul3A_57, %dma_wait3A_83] : memref<392x128xi32, #tpu.memory_space<hbm>> -> memref<56x128xi32, #tpu.memory_space<hbm>>
        tpu.wait_dma2 semaphore(%run_scoped3A : memref<!tpu.dma_semaphore, #tpu.memory_space<semaphore_mem>>) src(%dma_wait3A_84 : memref<56x128xi32, #tpu.memory_space<hbm>>) dst(%arg5 : memref<56x128xi32, #tpu.memory_space<vmem>>)
        tpu.yield
      }) : () -> ()
      %scan3A_58 = arith.constant 0 : i32
      %scan3A_59 = arith.constant 56 : i32
      %scan3A_60 = arith.addi %scan3A_58, %scan3A_59 : i32
      %scan3A_61 = arith.constant 1 : i32
      scf.for %scan3A_63 = %scan3A_58 to %scan3A_60 step %scan3A_61  : i32 {
        %get3A = arith.index_cast %scan3A_63 : i32 to index
        %get3A_64 = arith.constant 0 : index
        %get3A_65 = tpu.vector_load %arg5[%get3A, %get3A_64] {strides = array<i32>} : memref<56x128xi32, #tpu.memory_space<vmem>>, vector<1x16xi32>,
        %get3A_66 = vector.shape_cast %get3A_65 : vector<1x16xi32> to vector<16xi32>
        %and3A = arith.constant 65535 : i32
        %and3A_67 = vector.broadcast %and3A : i32 to vector<16xi32>
        %and3A_68 = arith.andi %get3A_66, %and3A_67 : vector<16xi32>
        %swap3A = arith.constant 0 : index
        %swap3A_69 = tpu.vector_load %arg6[%swap3A] {strides = array<i32>} : memref<128xi32, #tpu.memory_space<vmem>>, vector<16xi32>,
        %swap3A_70 = vector.shape_cast %swap3A_69 : vector<16xi32> to vector<16xi32>
        %swap3A_71 = vector.shape_cast %and3A_68 : vector<16xi32> to vector<16xi32>
        tpu.vector_store %arg6[%swap3A], %swap3A_71 {strides = array<i32>} : memref<128xi32, #tpu.memory_space<vmem>>, vector<16xi32>,
        %shift_right_logical3A = arith.constant 16 : i32
        %shift_right_logical3A_72 = vector.broadcast %shift_right_logical3A : i32 to vector<16xi32>
        %shift_right_logical3A_73 = arith.shrui %get3A_66, %shift_right_logical3A_72 : vector<16xi32>
        %swap3A_74 = arith.constant 0 : index
        %swap3A_75 = tpu.vector_load %arg7[%swap3A_74] {strides = array<i32>} : memref<128xi32, #tpu.memory_space<vmem>>, vector<16xi32>,
        %swap3A_76 = vector.shape_cast %swap3A_75 : vector<16xi32> to vector<16xi32>
        %swap3A_77 = vector.shape_cast %shift_right_logical3A_73 : vector<16xi32> to vector<16xi32>
        tpu.vector_store %arg7[%swap3A_74], %swap3A_77 {strides = array<i32>} : memref<128xi32, #tpu.memory_space<vmem>>, vector<16xi32>,
        %get3A_78 = arith.index_cast %scan3A_63 : i32 to index
        %get3A_79 = arith.constant 16 : index
        %get3A_80 = tpu.vector_load %arg5[%get3A_78, %get3A_79] {strides = array<i32>} : memref<56x128xi32, #tpu.memory_space<vmem>>, vector<1x16xi32>,
        %get3A_81 = vector.shape_cast %get3A_80 : vector<1x16xi32> to vector<16xi32>
        %and3A_82 = arith.constant 65535 : i32
        %and3A_83 = vector.broadcast %and3A_82 : i32 to vector<16xi32>
        %and3A_84 = arith.andi %get3A_81, %and3A_83 : vector<16xi32>
        %swap3A_85 = arith.constant 16 : index
        %swap3A_86 = tpu.vector_load %arg6[%swap3A_85] {strides = array<i32>} : memref<128xi32, #tpu.memory_space<vmem>>, vector<16xi32>,
        %swap3A_87 = vector.shape_cast %swap3A_86 : vector<16xi32> to vector<16xi32>
        %swap3A_88 = vector.shape_cast %and3A_84 : vector<16xi32> to vector<16xi32>
        tpu.vector_store %arg6[%swap3A_85], %swap3A_88 {strides = array<i32>} : memref<128xi32, #tpu.memory_space<vmem>>, vector<16xi32>,
        %shift_right_logical3A_89 = arith.constant 16 : i32
        %shift_right_logical3A_90 = vector.broadcast %shift_right_logical3A_89 : i32 to vector<16xi32>
        %shift_right_logical3A_91 = arith.shrui %get3A_81, %shift_right_logical3A_90 : vector<16xi32>
        %swap3A_92 = arith.constant 16 : index
        %swap3A_93 = tpu.vector_load %arg7[%swap3A_92] {strides = array<i32>} : memref<128xi32, #tpu.memory_space<vmem>>, vector<16xi32>,
        %swap3A_94 = vector.shape_cast %swap3A_93 : vector<16xi32> to vector<16xi32>
        %swap3A_95 = vector.shape_cast %shift_right_logical3A_91 : vector<16xi32> to vector<16xi32>
        tpu.vector_store %arg7[%swap3A_92], %swap3A_95 {strides = array<i32>} : memref<128xi32, #tpu.memory_space<vmem>>, vector<16xi32>,
        %get3A_96 = arith.index_cast %scan3A_63 : i32 to index
        %get3A_97 = arith.constant 32 : index
        %get3A_98 = tpu.vector_load %arg5[%get3A_96, %get3A_97] {strides = array<i32>} : memref<56x128xi32, #tpu.memory_space<vmem>>, vector<1x16xi32>,
        %get3A_99 = vector.shape_cast %get3A_98 : vector<1x16xi32> to vector<16xi32>
        %and3A_100 = arith.constant 65535 : i32
        %and3A_101 = vector.broadcast %and3A_100 : i32 to vector<16xi32>
        %and3A_102 = arith.andi %get3A_99, %and3A_101 : vector<16xi32>
        %swap3A_103 = arith.constant 32 : index
        %swap3A_104 = tpu.vector_load %arg6[%swap3A_103] {strides = array<i32>} : memref<128xi32, #tpu.memory_space<vmem>>, vector<16xi32>,
        %swap3A_105 = vector.shape_cast %swap3A_104 : vector<16xi32> to vector<16xi32>
        %swap3A_106 = vector.shape_cast %and3A_102 : vector<16xi32> to vector<16xi32>
        tpu.vector_store %arg6[%swap3A_103], %swap3A_106 {strides = array<i32>} : memref<128xi32, #tpu.memory_space<vmem>>, vector<16xi32>,
        %shift_right_logical3A_107 = arith.constant 16 : i32
        %shift_right_logical3A_108 = vector.broadcast %shift_right_logical3A_107 : i32 to vector<16xi32>
        %shift_right_logical3A_109 = arith.shrui %get3A_99, %shift_right_logical3A_108 : vector<16xi32>
        %swap3A_110 = arith.constant 32 : index
        %swap3A_111 = tpu.vector_load %arg7[%swap3A_110] {strides = array<i32>} : memref<128xi32, #tpu.memory_space<vmem>>, vector<16xi32>,
        %swap3A_112 = vector.shape_cast %swap3A_111 : vector<16xi32> to vector<16xi32>
        %swap3A_113 = vector.shape_cast %shift_right_logical3A_109 : vector<16xi32> to vector<16xi32>
        tpu.vector_store %arg7[%swap3A_110], %swap3A_113 {strides = array<i32>} : memref<128xi32, #tpu.memory_space<vmem>>, vector<16xi32>,
        %get3A_114 = arith.index_cast %scan3A_63 : i32 to index
        %get3A_115 = arith.constant 48 : index
        %get3A_116 = tpu.vector_load %arg5[%get3A_114, %get3A_115] {strides = array<i32>} : memref<56x128xi32, #tpu.memory_space<vmem>>, vector<1x16xi32>,
        %get3A_117 = vector.shape_cast %get3A_116 : vector<1x16xi32> to vector<16xi32>
        %and3A_118 = arith.constant 65535 : i32
        %and3A_119 = vector.broadcast %and3A_118 : i32 to vector<16xi32>
        %and3A_120 = arith.andi %get3A_117, %and3A_119 : vector<16xi32>
        %swap3A_121 = arith.constant 48 : index
        %swap3A_122 = tpu.vector_load %arg6[%swap3A_121] {strides = array<i32>} : memref<128xi32, #tpu.memory_space<vmem>>, vector<16xi32>,
        %swap3A_123 = vector.shape_cast %swap3A_122 : vector<16xi32> to vector<16xi32>
        %swap3A_124 = vector.shape_cast %and3A_120 : vector<16xi32> to vector<16xi32>
        tpu.vector_store %arg6[%swap3A_121], %swap3A_124 {strides = array<i32>} : memref<128xi32, #tpu.memory_space<vmem>>, vector<16xi32>,
        %shift_right_logical3A_125 = arith.constant 16 : i32
        %shift_right_logical3A_126 = vector.broadcast %shift_right_logical3A_125 : i32 to vector<16xi32>
        %shift_right_logical3A_127 = arith.shrui %get3A_117, %shift_right_logical3A_126 : vector<16xi32>
        %swap3A_128 = arith.constant 48 : index
        %swap3A_129 = tpu.vector_load %arg7[%swap3A_128] {strides = array<i32>} : memref<128xi32, #tpu.memory_space<vmem>>, vector<16xi32>,
        %swap3A_130 = vector.shape_cast %swap3A_129 : vector<16xi32> to vector<16xi32>
        %swap3A_131 = vector.shape_cast %shift_right_logical3A_127 : vector<16xi32> to vector<16xi32>
        tpu.vector_store %arg7[%swap3A_128], %swap3A_131 {strides = array<i32>} : memref<128xi32, #tpu.memory_space<vmem>>, vector<16xi32>,
        %get3A_132 = arith.index_cast %scan3A_63 : i32 to index
        %get3A_133 = arith.constant 64 : index
        %get3A_134 = tpu.vector_load %arg5[%get3A_132, %get3A_133] {strides = array<i32>} : memref<56x128xi32, #tpu.memory_space<vmem>>, vector<1x16xi32>,
        %get3A_135 = vector.shape_cast %get3A_134 : vector<1x16xi32> to vector<16xi32>
        %and3A_136 = arith.constant 65535 : i32
        %and3A_137 = vector.broadcast %and3A_136 : i32 to vector<16xi32>
        %and3A_138 = arith.andi %get3A_135, %and3A_137 : vector<16xi32>
        %swap3A_139 = arith.constant 64 : index
        %swap3A_140 = tpu.vector_load %arg6[%swap3A_139] {strides = array<i32>} : memref<128xi32, #tpu.memory_space<vmem>>, vector<16xi32>,
        %swap3A_141 = vector.shape_cast %swap3A_140 : vector<16xi32> to vector<16xi32>
        %swap3A_142 = vector.shape_cast %and3A_138 : vector<16xi32> to vector<16xi32>
        tpu.vector_store %arg6[%swap3A_139], %swap3A_142 {strides = array<i32>} : memref<128xi32, #tpu.memory_space<vmem>>, vector<16xi32>,
        %shift_right_logical3A_143 = arith.constant 16 : i32
        %shift_right_logical3A_144 = vector.broadcast %shift_right_logical3A_143 : i32 to vector<16xi32>
        %shift_right_logical3A_145 = arith.shrui %get3A_135, %shift_right_logical3A_144 : vector<16xi32>
        %swap3A_146 = arith.constant 64 : index
        %swap3A_147 = tpu.vector_load %arg7[%swap3A_146] {strides = array<i32>} : memref<128xi32, #tpu.memory_space<vmem>>, vector<16xi32>,
        %swap3A_148 = vector.shape_cast %swap3A_147 : vector<16xi32> to vector<16xi32>
        %swap3A_149 = vector.shape_cast %shift_right_logical3A_145 : vector<16xi32> to vector<16xi32>
        tpu.vector_store %arg7[%swap3A_146], %swap3A_149 {strides = array<i32>} : memref<128xi32, #tpu.memory_space<vmem>>, vector<16xi32>,
        %get3A_150 = arith.index_cast %scan3A_63 : i32 to index
        %get3A_151 = arith.constant 80 : index
        %get3A_152 = tpu.vector_load %arg5[%get3A_150, %get3A_151] {strides = array<i32>} : memref<56x128xi32, #tpu.memory_space<vmem>>, vector<1x16xi32>,
        %get3A_153 = vector.shape_cast %get3A_152 : vector<1x16xi32> to vector<16xi32>
        %and3A_154 = arith.constant 65535 : i32
        %and3A_155 = vector.broadcast %and3A_154 : i32 to vector<16xi32>
        %and3A_156 = arith.andi %get3A_153, %and3A_155 : vector<16xi32>
        %swap3A_157 = arith.constant 80 : index
        %swap3A_158 = tpu.vector_load %arg6[%swap3A_157] {strides = array<i32>} : memref<128xi32, #tpu.memory_space<vmem>>, vector<16xi32>,
        %swap3A_159 = vector.shape_cast %swap3A_158 : vector<16xi32> to vector<16xi32>
        %swap3A_160 = vector.shape_cast %and3A_156 : vector<16xi32> to vector<16xi32>
        tpu.vector_store %arg6[%swap3A_157], %swap3A_160 {strides = array<i32>} : memref<128xi32, #tpu.memory_space<vmem>>, vector<16xi32>,
        %shift_right_logical3A_161 = arith.constant 16 : i32
        %shift_right_logical3A_162 = vector.broadcast %shift_right_logical3A_161 : i32 to vector<16xi32>
        %shift_right_logical3A_163 = arith.shrui %get3A_153, %shift_right_logical3A_162 : vector<16xi32>
        %swap3A_164 = arith.constant 80 : index
        %swap3A_165 = tpu.vector_load %arg7[%swap3A_164] {strides = array<i32>} : memref<128xi32, #tpu.memory_space<vmem>>, vector<16xi32>,
        %swap3A_166 = vector.shape_cast %swap3A_165 : vector<16xi32> to vector<16xi32>
        %swap3A_167 = vector.shape_cast %shift_right_logical3A_163 : vector<16xi32> to vector<16xi32>
        tpu.vector_store %arg7[%swap3A_164], %swap3A_167 {strides = array<i32>} : memref<128xi32, #tpu.memory_space<vmem>>, vector<16xi32>,
        %get3A_168 = arith.index_cast %scan3A_63 : i32 to index
        %get3A_169 = arith.constant 96 : index
        %get3A_170 = tpu.vector_load %arg5[%get3A_168, %get3A_169] {strides = array<i32>} : memref<56x128xi32, #tpu.memory_space<vmem>>, vector<1x16xi32>,
        %get3A_171 = vector.shape_cast %get3A_170 : vector<1x16xi32> to vector<16xi32>
        %and3A_172 = arith.constant 65535 : i32
        %and3A_173 = vector.broadcast %and3A_172 : i32 to vector<16xi32>
        %and3A_174 = arith.andi %get3A_171, %and3A_173 : vector<16xi32>
        %swap3A_175 = arith.constant 96 : index
        %swap3A_176 = tpu.vector_load %arg6[%swap3A_175] {strides = array<i32>} : memref<128xi32, #tpu.memory_space<vmem>>, vector<16xi32>,
        %swap3A_177 = vector.shape_cast %swap3A_176 : vector<16xi32> to vector<16xi32>
        %swap3A_178 = vector.shape_cast %and3A_174 : vector<16xi32> to vector<16xi32>
        tpu.vector_store %arg6[%swap3A_175], %swap3A_178 {strides = array<i32>} : memref<128xi32, #tpu.memory_space<vmem>>, vector<16xi32>,
        %shift_right_logical3A_179 = arith.constant 16 : i32
        %shift_right_logical3A_180 = vector.broadcast %shift_right_logical3A_179 : i32 to vector<16xi32>
        %shift_right_logical3A_181 = arith.shrui %get3A_171, %shift_right_logical3A_180 : vector<16xi32>
        %swap3A_182 = arith.constant 96 : index
        %swap3A_183 = tpu.vector_load %arg7[%swap3A_182] {strides = array<i32>} : memref<128xi32, #tpu.memory_space<vmem>>, vector<16xi32>,
        %swap3A_184 = vector.shape_cast %swap3A_183 : vector<16xi32> to vector<16xi32>
        %swap3A_185 = vector.shape_cast %shift_right_logical3A_181 : vector<16xi32> to vector<16xi32>
        tpu.vector_store %arg7[%swap3A_182], %swap3A_185 {strides = array<i32>} : memref<128xi32, #tpu.memory_space<vmem>>, vector<16xi32>,
        %get3A_186 = arith.index_cast %scan3A_63 : i32 to index
        %get3A_187 = arith.constant 112 : index
        %get3A_188 = tpu.vector_load %arg5[%get3A_186, %get3A_187] {strides = array<i32>} : memref<56x128xi32, #tpu.memory_space<vmem>>, vector<1x16xi32>,
        %get3A_189 = vector.shape_cast %get3A_188 : vector<1x16xi32> to vector<16xi32>
        %and3A_190 = arith.constant 65535 : i32
        %and3A_191 = vector.broadcast %and3A_190 : i32 to vector<16xi32>
        %and3A_192 = arith.andi %get3A_189, %and3A_191 : vector<16xi32>
        %swap3A_193 = arith.constant 112 : index
        %swap3A_194 = tpu.vector_load %arg6[%swap3A_193] {strides = array<i32>} : memref<128xi32, #tpu.memory_space<vmem>>, vector<16xi32>,
        %swap3A_195 = vector.shape_cast %swap3A_194 : vector<16xi32> to vector<16xi32>
        %swap3A_196 = vector.shape_cast %and3A_192 : vector<16xi32> to vector<16xi32>
        tpu.vector_store %arg6[%swap3A_193], %swap3A_196 {strides = array<i32>} : memref<128xi32, #tpu.memory_space<vmem>>, vector<16xi32>,
        %shift_right_logical3A_197 = arith.constant 16 : i32
        %shift_right_logical3A_198 = vector.broadcast %shift_right_logical3A_197 : i32 to vector<16xi32>
        %shift_right_logical3A_199 = arith.shrui %get3A_189, %shift_right_logical3A_198 : vector<16xi32>
        %swap3A_200 = arith.constant 112 : index
        %swap3A_201 = tpu.vector_load %arg7[%swap3A_200] {strides = array<i32>} : memref<128xi32, #tpu.memory_space<vmem>>, vector<16xi32>,
        %swap3A_202 = vector.shape_cast %swap3A_201 : vector<16xi32> to vector<16xi32>
        %swap3A_203 = vector.shape_cast %shift_right_logical3A_199 : vector<16xi32> to vector<16xi32>
        tpu.vector_store %arg7[%swap3A_200], %swap3A_203 {strides = array<i32>} : memref<128xi32, #tpu.memory_space<vmem>>, vector<16xi32>,
        "tpu.region"() ({
          %run_scoped3A = tpu.sem_alloc : memref<!tpu.dma_semaphore, #tpu.memory_space<semaphore_mem>>
          %dma_start3A = arith.constant 0 : i32
          %dma_start3A_204 = arith.constant 0 : i32
          %dma_start3A_205 = tpu.memref_slice %arg2[%dma_start3A, %dma_start3A_204] : memref<50000x128xf32, #tpu.memory_space<hbm>> -> memref<50000x128xf32, #tpu.memory_space<hbm>>
          tpu.enqueue_indirect_dma source(%dma_start3A_205 : memref<50000x128xf32, #tpu.memory_space<hbm>>) target(%arg8 : memref<128x128xf32, #tpu.memory_space<vmem>>) offsets(%arg6 : memref<128xi32, #tpu.memory_space<vmem>>) semaphore(%run_scoped3A : memref<!tpu.dma_semaphore, #tpu.memory_space<semaphore_mem>>)
          %dma_wait3A = arith.constant 0 : i32
          %dma_wait3A_206 = arith.constant 0 : i32
          %dma_wait3A_207 = tpu.memref_slice %arg2[%dma_wait3A, %dma_wait3A_206] : memref<50000x128xf32, #tpu.memory_space<hbm>> -> memref<50000x128xf32, #tpu.memory_space<hbm>>
          tpu.wait_indirect_dma semaphore(%run_scoped3A : memref<!tpu.dma_semaphore, #tpu.memory_space<semaphore_mem>>) src(%dma_wait3A_207 : memref<50000x128xf32, #tpu.memory_space<hbm>>) dst(%arg8 : memref<128x128xf32, #tpu.memory_space<vmem>>)
          tpu.yield
        }) : () -> ()
        "tpu.region"() ({
          %run_scoped3A = tpu.sem_alloc : memref<!tpu.dma_semaphore, #tpu.memory_space<semaphore_mem>>
          %dma_start3A = arith.constant 0 : i32
          %dma_start3A_204 = arith.constant 0 : i32
          %dma_start3A_205 = tpu.memref_slice %arg10[%dma_start3A, %dma_start3A_204] : memref<12800x128xf32, #tpu.memory_space<vmem_shared>> -> memref<12800x128xf32, #tpu.memory_space<vmem_shared>>
          tpu.enqueue_indirect_dma source(%arg8 : memref<128x128xf32, #tpu.memory_space<vmem>>) target(%dma_start3A_205 : memref<12800x128xf32, #tpu.memory_space<vmem_shared>>) offsets(%arg7 : memref<128xi32, #tpu.memory_space<vmem>>) semaphore(%run_scoped3A : memref<!tpu.dma_semaphore, #tpu.memory_space<semaphore_mem>>) {add = true}
          %dma_wait3A = arith.constant 0 : i32
          %dma_wait3A_206 = arith.constant 0 : i32
          %dma_wait3A_207 = tpu.memref_slice %arg10[%dma_wait3A, %dma_wait3A_206] : memref<12800x128xf32, #tpu.memory_space<vmem_shared>> -> memref<12800x128xf32, #tpu.memory_space<vmem_shared>>
          tpu.wait_indirect_dma semaphore(%run_scoped3A : memref<!tpu.dma_semaphore, #tpu.memory_space<semaphore_mem>>) src(%arg8 : memref<128x128xf32, #tpu.memory_space<vmem>>) dst(%dma_wait3A_207 : memref<12800x128xf32, #tpu.memory_space<vmem_shared>>)
          tpu.yield
        }) : () -> ()
      }
      %scan3A_62 = arith.constant 56 : i32
    }
    %scan3A_45 = arith.constant 7 : i32
    %barrier3A_46 = arith.constant 0 : index
    tpu.barrier barrier_id(%barrier3A_46)
    %mul3A_47 = arith.constant 784 : i32
    %mul3A_48 = arith.muli %arg1, %mul3A_47 : i32
    %mul3A_49 = arith.constant 12544 : i32
    %mul3A_50 = arith.muli %add3A_30, %mul3A_49 : i32
    %mul3A_51 = arith.constant 784 : i32
    %mul3A_52 = arith.muli %arg1, %mul3A_51 : i32
    %add3A_53 = arith.addi %mul3A_50, %mul3A_52 : i32
    "tpu.region"() ({
      %run_scoped3A = tpu.sem_alloc : memref<!tpu.dma_semaphore, #tpu.memory_space<semaphore_mem>>
      %dma_start3A = arith.constant 0 : i32
      %dma_start3A_55 = tpu.memref_slice %arg4[%add3A_53, %dma_start3A] : memref<50176x128xf32, #tpu.memory_space<hbm>> -> memref<784x128xf32, #tpu.memory_space<hbm>>
      %dma_start3A_56 = arith.constant 0 : i32
      %dma_start3A_57 = tpu.memref_slice %arg10[%mul3A_48, %dma_start3A_56] : memref<12800x128xf32, #tpu.memory_space<vmem_shared>> -> memref<784x128xf32, #tpu.memory_space<vmem_shared>>
      tpu.enqueue_dma source(%dma_start3A_57 : memref<784x128xf32, #tpu.memory_space<vmem_shared>>) target(%dma_start3A_55 : memref<784x128xf32, #tpu.memory_space<hbm>>) target_semaphore(%run_scoped3A : memref<!tpu.dma_semaphore, #tpu.memory_space<semaphore_mem>>)
      %dma_wait3A = arith.constant 0 : i32
      %dma_wait3A_58 = tpu.memref_slice %arg4[%add3A_53, %dma_wait3A] : memref<50176x128xf32, #tpu.memory_space<hbm>> -> memref<784x128xf32, #tpu.memory_space<hbm>>
      %dma_wait3A_59 = arith.constant 0 : i32
      %dma_wait3A_60 = tpu.memref_slice %arg10[%mul3A_48, %dma_wait3A_59] : memref<12800x128xf32, #tpu.memory_space<vmem_shared>> -> memref<784x128xf32, #tpu.memory_space<vmem_shared>>
      tpu.wait_dma2 semaphore(%run_scoped3A : memref<!tpu.dma_semaphore, #tpu.memory_space<semaphore_mem>>) src(%dma_wait3A_60 : memref<784x128xf32, #tpu.memory_space<vmem_shared>>) dst(%dma_wait3A_58 : memref<784x128xf32, #tpu.memory_space<hbm>>)
      tpu.yield
    }) : () -> ()
    %barrier3A_54 = arith.constant 0 : index
    tpu.barrier barrier_id(%barrier3A_54)
    return
  }
}

#map = affine_map<(d0, d1) -> (0, 0)>
#map1 = affine_map<(d0, d1) -> (0, 0, 0, 0)>
module attributes {stable_mosaic.version = 14 : i64} {
  func.func @seg(%arg0: i32, %arg1: i32, %arg2: memref<50000x128xf32, #tpu.memory_space<hbm>>, %arg3: memref<4x16x392x128xi32, #tpu.memory_space<hbm>>, %arg4: memref<50176x128xf32, #tpu.memory_space<hbm>>, %arg5: memref<56x128xi32, #tpu.memory_space<vmem>>, %arg6: memref<128xi32, #tpu.memory_space<vmem>>, %arg7: memref<128xi32, #tpu.memory_space<vmem>>, %arg8: memref<128x128xf32, #tpu.memory_space<vmem>>, %arg9: memref<32x128xf32, #tpu.memory_space<vmem>>, %arg10: memref<12800x128xf32, #tpu.memory_space<vmem_shared>>) attributes {dimension_semantics = [#tpu.dimension_semantics<core_parallel>, #tpu.dimension_semantics<subcore_parallel>], iteration_bounds = array<i64: 2, 16>, scalar_prefetch = 0 : i64, scratch_operands = 6 : i64, tpu.core_type = #tpu.core_type<sc_vector_subcore>, window_params = [{transform_indices = #map}, {transform_indices = #map1}, {transform_indices = #map}]} {
    %broadcast_in_dim3A = arith.constant 0.000000e+00 : f32
    %broadcast_in_dim3A_0 = vector.broadcast %broadcast_in_dim3A : f32 to vector<16xf32>
    %scan3A = arith.constant 0 : i32
    %scan3A_1 = arith.constant 0 : i32
    %scan3A_2 = arith.constant 32 : i32
    %scan3A_3 = arith.addi %scan3A_1, %scan3A_2 : i32
    %scan3A_4 = arith.constant 1 : i32
    scf.for %scan3A_55 = %scan3A_1 to %scan3A_3 step %scan3A_4  : i32 {
      %scan3A_56 = arith.constant 0 : i32
      %scan3A_57 = arith.constant 8 : i32
      %scan3A_58 = arith.addi %scan3A_56, %scan3A_57 : i32
      %scan3A_59 = arith.constant 1 : i32
      scf.for %scan3A_61 = %scan3A_56 to %scan3A_58 step %scan3A_59  : i32 {
        %mul3A_62 = arith.constant 16 : i32
        %mul3A_63 = arith.muli %scan3A_61, %mul3A_62 : i32
        %swap3A = arith.index_cast %scan3A_55 : i32 to index
        %swap3A_64 = arith.index_cast %mul3A_63 : i32 to index
        %swap3A_65 = tpu.vector_load %arg9[%swap3A, %swap3A_64] {strides = array<i32>} : memref<32x128xf32, #tpu.memory_space<vmem>>, vector<1x16xf32>,
        %swap3A_66 = vector.shape_cast %swap3A_65 : vector<1x16xf32> to vector<16xf32>
        %swap3A_67 = vector.shape_cast %broadcast_in_dim3A_0 : vector<16xf32> to vector<1x16xf32>
        tpu.vector_store %arg9[%swap3A, %swap3A_64], %swap3A_67 {strides = array<i32>} : memref<32x128xf32, #tpu.memory_space<vmem>>, vector<1x16xf32>,
      }
      %scan3A_60 = arith.constant 8 : i32
    }
    %scan3A_5 = arith.constant 32 : i32
    %add3A = arith.constant 0 : i32
    %add3A_6 = arith.addi %add3A, %arg0 : i32
    %mul3A = arith.constant 800 : i32
    %mul3A_7 = arith.muli %arg1, %mul3A : i32
    %scan3A_8 = arith.constant 0 : i32
    %scan3A_9 = arith.constant 0 : i32
    %scan3A_10 = arith.constant 25 : i32
    %scan3A_11 = arith.addi %scan3A_9, %scan3A_10 : i32
    %scan3A_12 = arith.constant 1 : i32
    scf.for %scan3A_55 = %scan3A_9 to %scan3A_11 step %scan3A_12  : i32 {
      %mul3A_56 = arith.constant 32 : i32
      %mul3A_57 = arith.muli %scan3A_55, %mul3A_56 : i32
      %add3A_58 = arith.addi %mul3A_7, %mul3A_57 : i32
      "tpu.region"() ({
        %run_scoped3A = tpu.sem_alloc : memref<!tpu.dma_semaphore, #tpu.memory_space<semaphore_mem>>
        %dma_start3A = arith.constant 0 : i32
        %dma_start3A_59 = tpu.memref_slice %arg10[%add3A_58, %dma_start3A] : memref<12800x128xf32, #tpu.memory_space<vmem_shared>> -> memref<32x128xf32, #tpu.memory_space<vmem_shared>>
        %dma_start3A_60 = arith.constant 0 : i32
        %dma_start3A_61 = tpu.memref_slice %arg10[%add3A_58, %dma_start3A_60] : memref<12800x128xf32, #tpu.memory_space<vmem_shared>> -> memref<32x128xf32, #tpu.memory_space<vmem_shared>>
        tpu.enqueue_dma source(%arg9 : memref<32x128xf32, #tpu.memory_space<vmem>>) target(%dma_start3A_61 : memref<32x128xf32, #tpu.memory_space<vmem_shared>>) target_semaphore(%run_scoped3A : memref<!tpu.dma_semaphore, #tpu.memory_space<semaphore_mem>>)
        %dma_wait3A = arith.constant 0 : i32
        %dma_wait3A_62 = tpu.memref_slice %arg10[%add3A_58, %dma_wait3A] : memref<12800x128xf32, #tpu.memory_space<vmem_shared>> -> memref<32x128xf32, #tpu.memory_space<vmem_shared>>
        %dma_wait3A_63 = arith.constant 0 : i32
        %dma_wait3A_64 = tpu.memref_slice %arg10[%add3A_58, %dma_wait3A_63] : memref<12800x128xf32, #tpu.memory_space<vmem_shared>> -> memref<32x128xf32, #tpu.memory_space<vmem_shared>>
        tpu.wait_dma2 semaphore(%run_scoped3A : memref<!tpu.dma_semaphore, #tpu.memory_space<semaphore_mem>>) src(%arg9 : memref<32x128xf32, #tpu.memory_space<vmem>>) dst(%dma_wait3A_64 : memref<32x128xf32, #tpu.memory_space<vmem_shared>>)
        tpu.yield
      }) : () -> ()
    }
    %scan3A_13 = arith.constant 25 : i32
    %barrier3A = arith.constant 0 : index
    tpu.barrier barrier_id(%barrier3A)
    %scan3A_14 = arith.constant 0 : i32
    %scan3A_15 = arith.constant 0 : i32
    %scan3A_16 = arith.constant 7 : i32
    %scan3A_17 = arith.addi %scan3A_15, %scan3A_16 : i32
    %scan3A_18 = arith.constant 1 : i32
    scf.for %scan3A_55 = %scan3A_15 to %scan3A_17 step %scan3A_18  : i32 {
      %mul3A_56 = arith.constant 56 : i32
      %mul3A_57 = arith.muli %scan3A_55, %mul3A_56 : i32
      "tpu.region"() ({
        %run_scoped3A = tpu.sem_alloc : memref<!tpu.dma_semaphore, #tpu.memory_space<semaphore_mem>>
        %dma_start3A = arith.constant 0 : i32
        %dma_start3A_63 = arith.constant 0 : i32
        %dma_start3A_64 = tpu.memref_slice %arg3[%add3A_6, %arg1, %dma_start3A, %dma_start3A_63] : memref<4x16x392x128xi32, #tpu.memory_space<hbm>> -> memref<1x1x392x128xi32, #tpu.memory_space<hbm>>
        %dma_start3A_65 = tpu.memref_squeeze %dma_start3A_64 : memref<1x1x392x128xi32, #tpu.memory_space<hbm>> -> memref<392x128xi32, #tpu.memory_space<hbm>>
        %dma_start3A_66 = arith.constant 0 : i32
        %dma_start3A_67 = tpu.memref_slice %dma_start3A_65[%mul3A_57, %dma_start3A_66] : memref<392x128xi32, #tpu.memory_space<hbm>> -> memref<56x128xi32, #tpu.memory_space<hbm>>
        %dma_start3A_68 = arith.constant 0 : i32
        %dma_start3A_69 = arith.constant 0 : i32
        %dma_start3A_70 = tpu.memref_slice %arg3[%add3A_6, %arg1, %dma_start3A_68, %dma_start3A_69] : memref<4x16x392x128xi32, #tpu.memory_space<hbm>> -> memref<1x1x392x128xi32, #tpu.memory_space<hbm>>
        %dma_start3A_71 = tpu.memref_squeeze %dma_start3A_70 : memref<1x1x392x128xi32, #tpu.memory_space<hbm>> -> memref<392x128xi32, #tpu.memory_space<hbm>>
        %dma_start3A_72 = arith.constant 0 : i32
        %dma_start3A_73 = tpu.memref_slice %dma_start3A_71[%mul3A_57, %dma_start3A_72] : memref<392x128xi32, #tpu.memory_space<hbm>> -> memref<56x128xi32, #tpu.memory_space<hbm>>
        tpu.enqueue_dma source(%dma_start3A_73 : memref<56x128xi32, #tpu.memory_space<hbm>>) target(%arg5 : memref<56x128xi32, #tpu.memory_space<vmem>>) target_semaphore(%run_scoped3A : memref<!tpu.dma_semaphore, #tpu.memory_space<semaphore_mem>>)
        %dma_wait3A = arith.constant 0 : i32
        %dma_wait3A_74 = arith.constant 0 : i32
        %dma_wait3A_75 = tpu.memref_slice %arg3[%add3A_6, %arg1, %dma_wait3A, %dma_wait3A_74] : memref<4x16x392x128xi32, #tpu.memory_space<hbm>> -> memref<1x1x392x128xi32, #tpu.memory_space<hbm>>
        %dma_wait3A_76 = tpu.memref_squeeze %dma_wait3A_75 : memref<1x1x392x128xi32, #tpu.memory_space<hbm>> -> memref<392x128xi32, #tpu.memory_space<hbm>>
        %dma_wait3A_77 = arith.constant 0 : i32
        %dma_wait3A_78 = tpu.memref_slice %dma_wait3A_76[%mul3A_57, %dma_wait3A_77] : memref<392x128xi32, #tpu.memory_space<hbm>> -> memref<56x128xi32, #tpu.memory_space<hbm>>
        %dma_wait3A_79 = arith.constant 0 : i32
        %dma_wait3A_80 = arith.constant 0 : i32
        %dma_wait3A_81 = tpu.memref_slice %arg3[%add3A_6, %arg1, %dma_wait3A_79, %dma_wait3A_80] : memref<4x16x392x128xi32, #tpu.memory_space<hbm>> -> memref<1x1x392x128xi32, #tpu.memory_space<hbm>>
        %dma_wait3A_82 = tpu.memref_squeeze %dma_wait3A_81 : memref<1x1x392x128xi32, #tpu.memory_space<hbm>> -> memref<392x128xi32, #tpu.memory_space<hbm>>
        %dma_wait3A_83 = arith.constant 0 : i32
        %dma_wait3A_84 = tpu.memref_slice %dma_wait3A_82[%mul3A_57, %dma_wait3A_83] : memref<392x128xi32, #tpu.memory_space<hbm>> -> memref<56x128xi32, #tpu.memory_space<hbm>>
        tpu.wait_dma2 semaphore(%run_scoped3A : memref<!tpu.dma_semaphore, #tpu.memory_space<semaphore_mem>>) src(%dma_wait3A_84 : memref<56x128xi32, #tpu.memory_space<hbm>>) dst(%arg5 : memref<56x128xi32, #tpu.memory_space<vmem>>)
        tpu.yield
      }) : () -> ()
      %scan3A_58 = arith.constant 0 : i32
      %scan3A_59 = arith.constant 56 : i32
      %scan3A_60 = arith.addi %scan3A_58, %scan3A_59 : i32
      %scan3A_61 = arith.constant 1 : i32
      scf.for %scan3A_63 = %scan3A_58 to %scan3A_60 step %scan3A_61  : i32 {
        %get3A = arith.index_cast %scan3A_63 : i32 to index
        %get3A_64 = arith.constant 0 : index
        %get3A_65 = tpu.vector_load %arg5[%get3A, %get3A_64] {strides = array<i32>} : memref<56x128xi32, #tpu.memory_space<vmem>>, vector<1x16xi32>,
        %get3A_66 = vector.shape_cast %get3A_65 : vector<1x16xi32> to vector<16xi32>
        %and3A = arith.constant 65535 : i32
        %and3A_67 = vector.broadcast %and3A : i32 to vector<16xi32>
        %and3A_68 = arith.andi %get3A_66, %and3A_67 : vector<16xi32>
        %swap3A = arith.constant 0 : index
        %swap3A_69 = tpu.vector_load %arg6[%swap3A] {strides = array<i32>} : memref<128xi32, #tpu.memory_space<vmem>>, vector<16xi32>,
        %swap3A_70 = vector.shape_cast %swap3A_69 : vector<16xi32> to vector<16xi32>
        %swap3A_71 = vector.shape_cast %and3A_68 : vector<16xi32> to vector<16xi32>
        tpu.vector_store %arg6[%swap3A], %swap3A_71 {strides = array<i32>} : memref<128xi32, #tpu.memory_space<vmem>>, vector<16xi32>,
        %shift_right_logical3A = arith.constant 16 : i32
        %shift_right_logical3A_72 = vector.broadcast %shift_right_logical3A : i32 to vector<16xi32>
        %shift_right_logical3A_73 = arith.shrui %get3A_66, %shift_right_logical3A_72 : vector<16xi32>
        %swap3A_74 = arith.constant 0 : index
        %swap3A_75 = tpu.vector_load %arg7[%swap3A_74] {strides = array<i32>} : memref<128xi32, #tpu.memory_space<vmem>>, vector<16xi32>,
        %swap3A_76 = vector.shape_cast %swap3A_75 : vector<16xi32> to vector<16xi32>
        %swap3A_77 = vector.shape_cast %shift_right_logical3A_73 : vector<16xi32> to vector<16xi32>
        tpu.vector_store %arg7[%swap3A_74], %swap3A_77 {strides = array<i32>} : memref<128xi32, #tpu.memory_space<vmem>>, vector<16xi32>,
        %get3A_78 = arith.index_cast %scan3A_63 : i32 to index
        %get3A_79 = arith.constant 16 : index
        %get3A_80 = tpu.vector_load %arg5[%get3A_78, %get3A_79] {strides = array<i32>} : memref<56x128xi32, #tpu.memory_space<vmem>>, vector<1x16xi32>,
        %get3A_81 = vector.shape_cast %get3A_80 : vector<1x16xi32> to vector<16xi32>
        %and3A_82 = arith.constant 65535 : i32
        %and3A_83 = vector.broadcast %and3A_82 : i32 to vector<16xi32>
        %and3A_84 = arith.andi %get3A_81, %and3A_83 : vector<16xi32>
        %swap3A_85 = arith.constant 16 : index
        %swap3A_86 = tpu.vector_load %arg6[%swap3A_85] {strides = array<i32>} : memref<128xi32, #tpu.memory_space<vmem>>, vector<16xi32>,
        %swap3A_87 = vector.shape_cast %swap3A_86 : vector<16xi32> to vector<16xi32>
        %swap3A_88 = vector.shape_cast %and3A_84 : vector<16xi32> to vector<16xi32>
        tpu.vector_store %arg6[%swap3A_85], %swap3A_88 {strides = array<i32>} : memref<128xi32, #tpu.memory_space<vmem>>, vector<16xi32>,
        %shift_right_logical3A_89 = arith.constant 16 : i32
        %shift_right_logical3A_90 = vector.broadcast %shift_right_logical3A_89 : i32 to vector<16xi32>
        %shift_right_logical3A_91 = arith.shrui %get3A_81, %shift_right_logical3A_90 : vector<16xi32>
        %swap3A_92 = arith.constant 16 : index
        %swap3A_93 = tpu.vector_load %arg7[%swap3A_92] {strides = array<i32>} : memref<128xi32, #tpu.memory_space<vmem>>, vector<16xi32>,
        %swap3A_94 = vector.shape_cast %swap3A_93 : vector<16xi32> to vector<16xi32>
        %swap3A_95 = vector.shape_cast %shift_right_logical3A_91 : vector<16xi32> to vector<16xi32>
        tpu.vector_store %arg7[%swap3A_92], %swap3A_95 {strides = array<i32>} : memref<128xi32, #tpu.memory_space<vmem>>, vector<16xi32>,
        %get3A_96 = arith.index_cast %scan3A_63 : i32 to index
        %get3A_97 = arith.constant 32 : index
        %get3A_98 = tpu.vector_load %arg5[%get3A_96, %get3A_97] {strides = array<i32>} : memref<56x128xi32, #tpu.memory_space<vmem>>, vector<1x16xi32>,
        %get3A_99 = vector.shape_cast %get3A_98 : vector<1x16xi32> to vector<16xi32>
        %and3A_100 = arith.constant 65535 : i32
        %and3A_101 = vector.broadcast %and3A_100 : i32 to vector<16xi32>
        %and3A_102 = arith.andi %get3A_99, %and3A_101 : vector<16xi32>
        %swap3A_103 = arith.constant 32 : index
        %swap3A_104 = tpu.vector_load %arg6[%swap3A_103] {strides = array<i32>} : memref<128xi32, #tpu.memory_space<vmem>>, vector<16xi32>,
        %swap3A_105 = vector.shape_cast %swap3A_104 : vector<16xi32> to vector<16xi32>
        %swap3A_106 = vector.shape_cast %and3A_102 : vector<16xi32> to vector<16xi32>
        tpu.vector_store %arg6[%swap3A_103], %swap3A_106 {strides = array<i32>} : memref<128xi32, #tpu.memory_space<vmem>>, vector<16xi32>,
        %shift_right_logical3A_107 = arith.constant 16 : i32
        %shift_right_logical3A_108 = vector.broadcast %shift_right_logical3A_107 : i32 to vector<16xi32>
        %shift_right_logical3A_109 = arith.shrui %get3A_99, %shift_right_logical3A_108 : vector<16xi32>
        %swap3A_110 = arith.constant 32 : index
        %swap3A_111 = tpu.vector_load %arg7[%swap3A_110] {strides = array<i32>} : memref<128xi32, #tpu.memory_space<vmem>>, vector<16xi32>,
        %swap3A_112 = vector.shape_cast %swap3A_111 : vector<16xi32> to vector<16xi32>
        %swap3A_113 = vector.shape_cast %shift_right_logical3A_109 : vector<16xi32> to vector<16xi32>
        tpu.vector_store %arg7[%swap3A_110], %swap3A_113 {strides = array<i32>} : memref<128xi32, #tpu.memory_space<vmem>>, vector<16xi32>,
        %get3A_114 = arith.index_cast %scan3A_63 : i32 to index
        %get3A_115 = arith.constant 48 : index
        %get3A_116 = tpu.vector_load %arg5[%get3A_114, %get3A_115] {strides = array<i32>} : memref<56x128xi32, #tpu.memory_space<vmem>>, vector<1x16xi32>,
        %get3A_117 = vector.shape_cast %get3A_116 : vector<1x16xi32> to vector<16xi32>
        %and3A_118 = arith.constant 65535 : i32
        %and3A_119 = vector.broadcast %and3A_118 : i32 to vector<16xi32>
        %and3A_120 = arith.andi %get3A_117, %and3A_119 : vector<16xi32>
        %swap3A_121 = arith.constant 48 : index
        %swap3A_122 = tpu.vector_load %arg6[%swap3A_121] {strides = array<i32>} : memref<128xi32, #tpu.memory_space<vmem>>, vector<16xi32>,
        %swap3A_123 = vector.shape_cast %swap3A_122 : vector<16xi32> to vector<16xi32>
        %swap3A_124 = vector.shape_cast %and3A_120 : vector<16xi32> to vector<16xi32>
        tpu.vector_store %arg6[%swap3A_121], %swap3A_124 {strides = array<i32>} : memref<128xi32, #tpu.memory_space<vmem>>, vector<16xi32>,
        %shift_right_logical3A_125 = arith.constant 16 : i32
        %shift_right_logical3A_126 = vector.broadcast %shift_right_logical3A_125 : i32 to vector<16xi32>
        %shift_right_logical3A_127 = arith.shrui %get3A_117, %shift_right_logical3A_126 : vector<16xi32>
        %swap3A_128 = arith.constant 48 : index
        %swap3A_129 = tpu.vector_load %arg7[%swap3A_128] {strides = array<i32>} : memref<128xi32, #tpu.memory_space<vmem>>, vector<16xi32>,
        %swap3A_130 = vector.shape_cast %swap3A_129 : vector<16xi32> to vector<16xi32>
        %swap3A_131 = vector.shape_cast %shift_right_logical3A_127 : vector<16xi32> to vector<16xi32>
        tpu.vector_store %arg7[%swap3A_128], %swap3A_131 {strides = array<i32>} : memref<128xi32, #tpu.memory_space<vmem>>, vector<16xi32>,
        %get3A_132 = arith.index_cast %scan3A_63 : i32 to index
        %get3A_133 = arith.constant 64 : index
        %get3A_134 = tpu.vector_load %arg5[%get3A_132, %get3A_133] {strides = array<i32>} : memref<56x128xi32, #tpu.memory_space<vmem>>, vector<1x16xi32>,
        %get3A_135 = vector.shape_cast %get3A_134 : vector<1x16xi32> to vector<16xi32>
        %and3A_136 = arith.constant 65535 : i32
        %and3A_137 = vector.broadcast %and3A_136 : i32 to vector<16xi32>
        %and3A_138 = arith.andi %get3A_135, %and3A_137 : vector<16xi32>
        %swap3A_139 = arith.constant 64 : index
        %swap3A_140 = tpu.vector_load %arg6[%swap3A_139] {strides = array<i32>} : memref<128xi32, #tpu.memory_space<vmem>>, vector<16xi32>,
        %swap3A_141 = vector.shape_cast %swap3A_140 : vector<16xi32> to vector<16xi32>
        %swap3A_142 = vector.shape_cast %and3A_138 : vector<16xi32> to vector<16xi32>
        tpu.vector_store %arg6[%swap3A_139], %swap3A_142 {strides = array<i32>} : memref<128xi32, #tpu.memory_space<vmem>>, vector<16xi32>,
        %shift_right_logical3A_143 = arith.constant 16 : i32
        %shift_right_logical3A_144 = vector.broadcast %shift_right_logical3A_143 : i32 to vector<16xi32>
        %shift_right_logical3A_145 = arith.shrui %get3A_135, %shift_right_logical3A_144 : vector<16xi32>
        %swap3A_146 = arith.constant 64 : index
        %swap3A_147 = tpu.vector_load %arg7[%swap3A_146] {strides = array<i32>} : memref<128xi32, #tpu.memory_space<vmem>>, vector<16xi32>,
        %swap3A_148 = vector.shape_cast %swap3A_147 : vector<16xi32> to vector<16xi32>
        %swap3A_149 = vector.shape_cast %shift_right_logical3A_145 : vector<16xi32> to vector<16xi32>
        tpu.vector_store %arg7[%swap3A_146], %swap3A_149 {strides = array<i32>} : memref<128xi32, #tpu.memory_space<vmem>>, vector<16xi32>,
        %get3A_150 = arith.index_cast %scan3A_63 : i32 to index
        %get3A_151 = arith.constant 80 : index
        %get3A_152 = tpu.vector_load %arg5[%get3A_150, %get3A_151] {strides = array<i32>} : memref<56x128xi32, #tpu.memory_space<vmem>>, vector<1x16xi32>,
        %get3A_153 = vector.shape_cast %get3A_152 : vector<1x16xi32> to vector<16xi32>
        %and3A_154 = arith.constant 65535 : i32
        %and3A_155 = vector.broadcast %and3A_154 : i32 to vector<16xi32>
        %and3A_156 = arith.andi %get3A_153, %and3A_155 : vector<16xi32>
        %swap3A_157 = arith.constant 80 : index
        %swap3A_158 = tpu.vector_load %arg6[%swap3A_157] {strides = array<i32>} : memref<128xi32, #tpu.memory_space<vmem>>, vector<16xi32>,
        %swap3A_159 = vector.shape_cast %swap3A_158 : vector<16xi32> to vector<16xi32>
        %swap3A_160 = vector.shape_cast %and3A_156 : vector<16xi32> to vector<16xi32>
        tpu.vector_store %arg6[%swap3A_157], %swap3A_160 {strides = array<i32>} : memref<128xi32, #tpu.memory_space<vmem>>, vector<16xi32>,
        %shift_right_logical3A_161 = arith.constant 16 : i32
        %shift_right_logical3A_162 = vector.broadcast %shift_right_logical3A_161 : i32 to vector<16xi32>
        %shift_right_logical3A_163 = arith.shrui %get3A_153, %shift_right_logical3A_162 : vector<16xi32>
        %swap3A_164 = arith.constant 80 : index
        %swap3A_165 = tpu.vector_load %arg7[%swap3A_164] {strides = array<i32>} : memref<128xi32, #tpu.memory_space<vmem>>, vector<16xi32>,
        %swap3A_166 = vector.shape_cast %swap3A_165 : vector<16xi32> to vector<16xi32>
        %swap3A_167 = vector.shape_cast %shift_right_logical3A_163 : vector<16xi32> to vector<16xi32>
        tpu.vector_store %arg7[%swap3A_164], %swap3A_167 {strides = array<i32>} : memref<128xi32, #tpu.memory_space<vmem>>, vector<16xi32>,
        %get3A_168 = arith.index_cast %scan3A_63 : i32 to index
        %get3A_169 = arith.constant 96 : index
        %get3A_170 = tpu.vector_load %arg5[%get3A_168, %get3A_169] {strides = array<i32>} : memref<56x128xi32, #tpu.memory_space<vmem>>, vector<1x16xi32>,
        %get3A_171 = vector.shape_cast %get3A_170 : vector<1x16xi32> to vector<16xi32>
        %and3A_172 = arith.constant 65535 : i32
        %and3A_173 = vector.broadcast %and3A_172 : i32 to vector<16xi32>
        %and3A_174 = arith.andi %get3A_171, %and3A_173 : vector<16xi32>
        %swap3A_175 = arith.constant 96 : index
        %swap3A_176 = tpu.vector_load %arg6[%swap3A_175] {strides = array<i32>} : memref<128xi32, #tpu.memory_space<vmem>>, vector<16xi32>,
        %swap3A_177 = vector.shape_cast %swap3A_176 : vector<16xi32> to vector<16xi32>
        %swap3A_178 = vector.shape_cast %and3A_174 : vector<16xi32> to vector<16xi32>
        tpu.vector_store %arg6[%swap3A_175], %swap3A_178 {strides = array<i32>} : memref<128xi32, #tpu.memory_space<vmem>>, vector<16xi32>,
        %shift_right_logical3A_179 = arith.constant 16 : i32
        %shift_right_logical3A_180 = vector.broadcast %shift_right_logical3A_179 : i32 to vector<16xi32>
        %shift_right_logical3A_181 = arith.shrui %get3A_171, %shift_right_logical3A_180 : vector<16xi32>
        %swap3A_182 = arith.constant 96 : index
        %swap3A_183 = tpu.vector_load %arg7[%swap3A_182] {strides = array<i32>} : memref<128xi32, #tpu.memory_space<vmem>>, vector<16xi32>,
        %swap3A_184 = vector.shape_cast %swap3A_183 : vector<16xi32> to vector<16xi32>
        %swap3A_185 = vector.shape_cast %shift_right_logical3A_181 : vector<16xi32> to vector<16xi32>
        tpu.vector_store %arg7[%swap3A_182], %swap3A_185 {strides = array<i32>} : memref<128xi32, #tpu.memory_space<vmem>>, vector<16xi32>,
        %get3A_186 = arith.index_cast %scan3A_63 : i32 to index
        %get3A_187 = arith.constant 112 : index
        %get3A_188 = tpu.vector_load %arg5[%get3A_186, %get3A_187] {strides = array<i32>} : memref<56x128xi32, #tpu.memory_space<vmem>>, vector<1x16xi32>,
        %get3A_189 = vector.shape_cast %get3A_188 : vector<1x16xi32> to vector<16xi32>
        %and3A_190 = arith.constant 65535 : i32
        %and3A_191 = vector.broadcast %and3A_190 : i32 to vector<16xi32>
        %and3A_192 = arith.andi %get3A_189, %and3A_191 : vector<16xi32>
        %swap3A_193 = arith.constant 112 : index
        %swap3A_194 = tpu.vector_load %arg6[%swap3A_193] {strides = array<i32>} : memref<128xi32, #tpu.memory_space<vmem>>, vector<16xi32>,
        %swap3A_195 = vector.shape_cast %swap3A_194 : vector<16xi32> to vector<16xi32>
        %swap3A_196 = vector.shape_cast %and3A_192 : vector<16xi32> to vector<16xi32>
        tpu.vector_store %arg6[%swap3A_193], %swap3A_196 {strides = array<i32>} : memref<128xi32, #tpu.memory_space<vmem>>, vector<16xi32>,
        %shift_right_logical3A_197 = arith.constant 16 : i32
        %shift_right_logical3A_198 = vector.broadcast %shift_right_logical3A_197 : i32 to vector<16xi32>
        %shift_right_logical3A_199 = arith.shrui %get3A_189, %shift_right_logical3A_198 : vector<16xi32>
        %swap3A_200 = arith.constant 112 : index
        %swap3A_201 = tpu.vector_load %arg7[%swap3A_200] {strides = array<i32>} : memref<128xi32, #tpu.memory_space<vmem>>, vector<16xi32>,
        %swap3A_202 = vector.shape_cast %swap3A_201 : vector<16xi32> to vector<16xi32>
        %swap3A_203 = vector.shape_cast %shift_right_logical3A_199 : vector<16xi32> to vector<16xi32>
        tpu.vector_store %arg7[%swap3A_200], %swap3A_203 {strides = array<i32>} : memref<128xi32, #tpu.memory_space<vmem>>, vector<16xi32>,
        "tpu.region"() ({
          %run_scoped3A = tpu.sem_alloc : memref<!tpu.dma_semaphore, #tpu.memory_space<semaphore_mem>>
          %dma_start3A = arith.constant 0 : i32
          %dma_start3A_204 = arith.constant 0 : i32
          %dma_start3A_205 = tpu.memref_slice %arg2[%dma_start3A, %dma_start3A_204] : memref<50000x128xf32, #tpu.memory_space<hbm>> -> memref<50000x128xf32, #tpu.memory_space<hbm>>
          tpu.enqueue_indirect_dma source(%dma_start3A_205 : memref<50000x128xf32, #tpu.memory_space<hbm>>) target(%arg8 : memref<128x128xf32, #tpu.memory_space<vmem>>) offsets(%arg6 : memref<128xi32, #tpu.memory_space<vmem>>) semaphore(%run_scoped3A : memref<!tpu.dma_semaphore, #tpu.memory_space<semaphore_mem>>)
          %dma_wait3A = arith.constant 0 : i32
          %dma_wait3A_206 = arith.constant 0 : i32
          %dma_wait3A_207 = tpu.memref_slice %arg2[%dma_wait3A, %dma_wait3A_206] : memref<50000x128xf32, #tpu.memory_space<hbm>> -> memref<50000x128xf32, #tpu.memory_space<hbm>>
          tpu.wait_indirect_dma semaphore(%run_scoped3A : memref<!tpu.dma_semaphore, #tpu.memory_space<semaphore_mem>>) src(%dma_wait3A_207 : memref<50000x128xf32, #tpu.memory_space<hbm>>) dst(%arg8 : memref<128x128xf32, #tpu.memory_space<vmem>>)
          tpu.yield
        }) : () -> ()
        "tpu.region"() ({
          %run_scoped3A = tpu.sem_alloc : memref<!tpu.dma_semaphore, #tpu.memory_space<semaphore_mem>>
          %dma_start3A = arith.constant 0 : i32
          %dma_start3A_204 = arith.constant 0 : i32
          %dma_start3A_205 = tpu.memref_slice %arg10[%dma_start3A, %dma_start3A_204] : memref<12800x128xf32, #tpu.memory_space<vmem_shared>> -> memref<12800x128xf32, #tpu.memory_space<vmem_shared>>
          tpu.enqueue_indirect_dma source(%arg8 : memref<128x128xf32, #tpu.memory_space<vmem>>) target(%dma_start3A_205 : memref<12800x128xf32, #tpu.memory_space<vmem_shared>>) offsets(%arg7 : memref<128xi32, #tpu.memory_space<vmem>>) semaphore(%run_scoped3A : memref<!tpu.dma_semaphore, #tpu.memory_space<semaphore_mem>>) {add = true}
          %dma_wait3A = arith.constant 0 : i32
          %dma_wait3A_206 = arith.constant 0 : i32
          %dma_wait3A_207 = tpu.memref_slice %arg10[%dma_wait3A, %dma_wait3A_206] : memref<12800x128xf32, #tpu.memory_space<vmem_shared>> -> memref<12800x128xf32, #tpu.memory_space<vmem_shared>>
          tpu.wait_indirect_dma semaphore(%run_scoped3A : memref<!tpu.dma_semaphore, #tpu.memory_space<semaphore_mem>>) src(%arg8 : memref<128x128xf32, #tpu.memory_space<vmem>>) dst(%dma_wait3A_207 : memref<12800x128xf32, #tpu.memory_space<vmem_shared>>)
          tpu.yield
        }) : () -> ()
      }
      %scan3A_62 = arith.constant 56 : i32
    }
    %scan3A_19 = arith.constant 7 : i32
    %barrier3A_20 = arith.constant 0 : index
    tpu.barrier barrier_id(%barrier3A_20)
    %mul3A_21 = arith.constant 784 : i32
    %mul3A_22 = arith.muli %arg1, %mul3A_21 : i32
    %mul3A_23 = arith.constant 12544 : i32
    %mul3A_24 = arith.muli %add3A_6, %mul3A_23 : i32
    %mul3A_25 = arith.constant 784 : i32
    %mul3A_26 = arith.muli %arg1, %mul3A_25 : i32
    %add3A_27 = arith.addi %mul3A_24, %mul3A_26 : i32
    "tpu.region"() ({
      %run_scoped3A = tpu.sem_alloc : memref<!tpu.dma_semaphore, #tpu.memory_space<semaphore_mem>>
      %dma_start3A = arith.constant 0 : i32
      %dma_start3A_55 = tpu.memref_slice %arg4[%add3A_27, %dma_start3A] : memref<50176x128xf32, #tpu.memory_space<hbm>> -> memref<784x128xf32, #tpu.memory_space<hbm>>
      %dma_start3A_56 = arith.constant 0 : i32
      %dma_start3A_57 = tpu.memref_slice %arg10[%mul3A_22, %dma_start3A_56] : memref<12800x128xf32, #tpu.memory_space<vmem_shared>> -> memref<784x128xf32, #tpu.memory_space<vmem_shared>>
      tpu.enqueue_dma source(%dma_start3A_57 : memref<784x128xf32, #tpu.memory_space<vmem_shared>>) target(%dma_start3A_55 : memref<784x128xf32, #tpu.memory_space<hbm>>) target_semaphore(%run_scoped3A : memref<!tpu.dma_semaphore, #tpu.memory_space<semaphore_mem>>)
      %dma_wait3A = arith.constant 0 : i32
      %dma_wait3A_58 = tpu.memref_slice %arg4[%add3A_27, %dma_wait3A] : memref<50176x128xf32, #tpu.memory_space<hbm>> -> memref<784x128xf32, #tpu.memory_space<hbm>>
      %dma_wait3A_59 = arith.constant 0 : i32
      %dma_wait3A_60 = tpu.memref_slice %arg10[%mul3A_22, %dma_wait3A_59] : memref<12800x128xf32, #tpu.memory_space<vmem_shared>> -> memref<784x128xf32, #tpu.memory_space<vmem_shared>>
      tpu.wait_dma2 semaphore(%run_scoped3A : memref<!tpu.dma_semaphore, #tpu.memory_space<semaphore_mem>>) src(%dma_wait3A_60 : memref<784x128xf32, #tpu.memory_space<vmem_shared>>) dst(%dma_wait3A_58 : memref<784x128xf32, #tpu.memory_space<hbm>>)
      tpu.yield
    }) : () -> ()
    %barrier3A_28 = arith.constant 0 : index
    tpu.barrier barrier_id(%barrier3A_28)
    %add3A_29 = arith.constant 2 : i32
    %add3A_30 = arith.addi %add3A_29, %arg0 : i32
    %mul3A_31 = arith.constant 800 : i32
    %mul3A_32 = arith.muli %arg1, %mul3A_31 : i32
    %scan3A_33 = arith.constant 0 : i32
    %scan3A_34 = arith.constant 0 : i32
    %scan3A_35 = arith.constant 25 : i32
    %scan3A_36 = arith.addi %scan3A_34, %scan3A_35 : i32
    %scan3A_37 = arith.constant 1 : i32
    scf.for %scan3A_55 = %scan3A_34 to %scan3A_36 step %scan3A_37  : i32 {
      %mul3A_56 = arith.constant 32 : i32
      %mul3A_57 = arith.muli %scan3A_55, %mul3A_56 : i32
      %add3A_58 = arith.addi %mul3A_32, %mul3A_57 : i32
      "tpu.region"() ({
        %run_scoped3A = tpu.sem_alloc : memref<!tpu.dma_semaphore, #tpu.memory_space<semaphore_mem>>
        %dma_start3A = arith.constant 0 : i32
        %dma_start3A_59 = tpu.memref_slice %arg10[%add3A_58, %dma_start3A] : memref<12800x128xf32, #tpu.memory_space<vmem_shared>> -> memref<32x128xf32, #tpu.memory_space<vmem_shared>>
        %dma_start3A_60 = arith.constant 0 : i32
        %dma_start3A_61 = tpu.memref_slice %arg10[%add3A_58, %dma_start3A_60] : memref<12800x128xf32, #tpu.memory_space<vmem_shared>> -> memref<32x128xf32, #tpu.memory_space<vmem_shared>>
        tpu.enqueue_dma source(%arg9 : memref<32x128xf32, #tpu.memory_space<vmem>>) target(%dma_start3A_61 : memref<32x128xf32, #tpu.memory_space<vmem_shared>>) target_semaphore(%run_scoped3A : memref<!tpu.dma_semaphore, #tpu.memory_space<semaphore_mem>>)
        %dma_wait3A = arith.constant 0 : i32
        %dma_wait3A_62 = tpu.memref_slice %arg10[%add3A_58, %dma_wait3A] : memref<12800x128xf32, #tpu.memory_space<vmem_shared>> -> memref<32x128xf32, #tpu.memory_space<vmem_shared>>
        %dma_wait3A_63 = arith.constant 0 : i32
        %dma_wait3A_64 = tpu.memref_slice %arg10[%add3A_58, %dma_wait3A_63] : memref<12800x128xf32, #tpu.memory_space<vmem_shared>> -> memref<32x128xf32, #tpu.memory_space<vmem_shared>>
        tpu.wait_dma2 semaphore(%run_scoped3A : memref<!tpu.dma_semaphore, #tpu.memory_space<semaphore_mem>>) src(%arg9 : memref<32x128xf32, #tpu.memory_space<vmem>>) dst(%dma_wait3A_64 : memref<32x128xf32, #tpu.memory_space<vmem_shared>>)
        tpu.yield
      }) : () -> ()
    }
    %scan3A_38 = arith.constant 25 : i32
    %barrier3A_39 = arith.constant 0 : index
    tpu.barrier barrier_id(%barrier3A_39)
    %scan3A_40 = arith.constant 0 : i32
    %scan3A_41 = arith.constant 0 : i32
    %scan3A_42 = arith.constant 7 : i32
    %scan3A_43 = arith.addi %scan3A_41, %scan3A_42 : i32
    %scan3A_44 = arith.constant 1 : i32
    scf.for %scan3A_55 = %scan3A_41 to %scan3A_43 step %scan3A_44  : i32 {
      %mul3A_56 = arith.constant 56 : i32
      %mul3A_57 = arith.muli %scan3A_55, %mul3A_56 : i32
      "tpu.region"() ({
        %run_scoped3A = tpu.sem_alloc : memref<!tpu.dma_semaphore, #tpu.memory_space<semaphore_mem>>
        %dma_start3A = arith.constant 0 : i32
        %dma_start3A_63 = arith.constant 0 : i32
        %dma_start3A_64 = tpu.memref_slice %arg3[%add3A_30, %arg1, %dma_start3A, %dma_start3A_63] : memref<4x16x392x128xi32, #tpu.memory_space<hbm>> -> memref<1x1x392x128xi32, #tpu.memory_space<hbm>>
        %dma_start3A_65 = tpu.memref_squeeze %dma_start3A_64 : memref<1x1x392x128xi32, #tpu.memory_space<hbm>> -> memref<392x128xi32, #tpu.memory_space<hbm>>
        %dma_start3A_66 = arith.constant 0 : i32
        %dma_start3A_67 = tpu.memref_slice %dma_start3A_65[%mul3A_57, %dma_start3A_66] : memref<392x128xi32, #tpu.memory_space<hbm>> -> memref<56x128xi32, #tpu.memory_space<hbm>>
        %dma_start3A_68 = arith.constant 0 : i32
        %dma_start3A_69 = arith.constant 0 : i32
        %dma_start3A_70 = tpu.memref_slice %arg3[%add3A_30, %arg1, %dma_start3A_68, %dma_start3A_69] : memref<4x16x392x128xi32, #tpu.memory_space<hbm>> -> memref<1x1x392x128xi32, #tpu.memory_space<hbm>>
        %dma_start3A_71 = tpu.memref_squeeze %dma_start3A_70 : memref<1x1x392x128xi32, #tpu.memory_space<hbm>> -> memref<392x128xi32, #tpu.memory_space<hbm>>
        %dma_start3A_72 = arith.constant 0 : i32
        %dma_start3A_73 = tpu.memref_slice %dma_start3A_71[%mul3A_57, %dma_start3A_72] : memref<392x128xi32, #tpu.memory_space<hbm>> -> memref<56x128xi32, #tpu.memory_space<hbm>>
        tpu.enqueue_dma source(%dma_start3A_73 : memref<56x128xi32, #tpu.memory_space<hbm>>) target(%arg5 : memref<56x128xi32, #tpu.memory_space<vmem>>) target_semaphore(%run_scoped3A : memref<!tpu.dma_semaphore, #tpu.memory_space<semaphore_mem>>)
        %dma_wait3A = arith.constant 0 : i32
        %dma_wait3A_74 = arith.constant 0 : i32
        %dma_wait3A_75 = tpu.memref_slice %arg3[%add3A_30, %arg1, %dma_wait3A, %dma_wait3A_74] : memref<4x16x392x128xi32, #tpu.memory_space<hbm>> -> memref<1x1x392x128xi32, #tpu.memory_space<hbm>>
        %dma_wait3A_76 = tpu.memref_squeeze %dma_wait3A_75 : memref<1x1x392x128xi32, #tpu.memory_space<hbm>> -> memref<392x128xi32, #tpu.memory_space<hbm>>
        %dma_wait3A_77 = arith.constant 0 : i32
        %dma_wait3A_78 = tpu.memref_slice %dma_wait3A_76[%mul3A_57, %dma_wait3A_77] : memref<392x128xi32, #tpu.memory_space<hbm>> -> memref<56x128xi32, #tpu.memory_space<hbm>>
        %dma_wait3A_79 = arith.constant 0 : i32
        %dma_wait3A_80 = arith.constant 0 : i32
        %dma_wait3A_81 = tpu.memref_slice %arg3[%add3A_30, %arg1, %dma_wait3A_79, %dma_wait3A_80] : memref<4x16x392x128xi32, #tpu.memory_space<hbm>> -> memref<1x1x392x128xi32, #tpu.memory_space<hbm>>
        %dma_wait3A_82 = tpu.memref_squeeze %dma_wait3A_81 : memref<1x1x392x128xi32, #tpu.memory_space<hbm>> -> memref<392x128xi32, #tpu.memory_space<hbm>>
        %dma_wait3A_83 = arith.constant 0 : i32
        %dma_wait3A_84 = tpu.memref_slice %dma_wait3A_82[%mul3A_57, %dma_wait3A_83] : memref<392x128xi32, #tpu.memory_space<hbm>> -> memref<56x128xi32, #tpu.memory_space<hbm>>
        tpu.wait_dma2 semaphore(%run_scoped3A : memref<!tpu.dma_semaphore, #tpu.memory_space<semaphore_mem>>) src(%dma_wait3A_84 : memref<56x128xi32, #tpu.memory_space<hbm>>) dst(%arg5 : memref<56x128xi32, #tpu.memory_space<vmem>>)
        tpu.yield
      }) : () -> ()
      %scan3A_58 = arith.constant 0 : i32
      %scan3A_59 = arith.constant 56 : i32
      %scan3A_60 = arith.addi %scan3A_58, %scan3A_59 : i32
      %scan3A_61 = arith.constant 1 : i32
      scf.for %scan3A_63 = %scan3A_58 to %scan3A_60 step %scan3A_61  : i32 {
        %get3A = arith.index_cast %scan3A_63 : i32 to index
        %get3A_64 = arith.constant 0 : index
        %get3A_65 = tpu.vector_load %arg5[%get3A, %get3A_64] {strides = array<i32>} : memref<56x128xi32, #tpu.memory_space<vmem>>, vector<1x16xi32>,
        %get3A_66 = vector.shape_cast %get3A_65 : vector<1x16xi32> to vector<16xi32>
        %and3A = arith.constant 65535 : i32
        %and3A_67 = vector.broadcast %and3A : i32 to vector<16xi32>
        %and3A_68 = arith.andi %get3A_66, %and3A_67 : vector<16xi32>
        %swap3A = arith.constant 0 : index
        %swap3A_69 = tpu.vector_load %arg6[%swap3A] {strides = array<i32>} : memref<128xi32, #tpu.memory_space<vmem>>, vector<16xi32>,
        %swap3A_70 = vector.shape_cast %swap3A_69 : vector<16xi32> to vector<16xi32>
        %swap3A_71 = vector.shape_cast %and3A_68 : vector<16xi32> to vector<16xi32>
        tpu.vector_store %arg6[%swap3A], %swap3A_71 {strides = array<i32>} : memref<128xi32, #tpu.memory_space<vmem>>, vector<16xi32>,
        %shift_right_logical3A = arith.constant 16 : i32
        %shift_right_logical3A_72 = vector.broadcast %shift_right_logical3A : i32 to vector<16xi32>
        %shift_right_logical3A_73 = arith.shrui %get3A_66, %shift_right_logical3A_72 : vector<16xi32>
        %swap3A_74 = arith.constant 0 : index
        %swap3A_75 = tpu.vector_load %arg7[%swap3A_74] {strides = array<i32>} : memref<128xi32, #tpu.memory_space<vmem>>, vector<16xi32>,
        %swap3A_76 = vector.shape_cast %swap3A_75 : vector<16xi32> to vector<16xi32>
        %swap3A_77 = vector.shape_cast %shift_right_logical3A_73 : vector<16xi32> to vector<16xi32>
        tpu.vector_store %arg7[%swap3A_74], %swap3A_77 {strides = array<i32>} : memref<128xi32, #tpu.memory_space<vmem>>, vector<16xi32>,
        %get3A_78 = arith.index_cast %scan3A_63 : i32 to index
        %get3A_79 = arith.constant 16 : index
        %get3A_80 = tpu.vector_load %arg5[%get3A_78, %get3A_79] {strides = array<i32>} : memref<56x128xi32, #tpu.memory_space<vmem>>, vector<1x16xi32>,
        %get3A_81 = vector.shape_cast %get3A_80 : vector<1x16xi32> to vector<16xi32>
        %and3A_82 = arith.constant 65535 : i32
        %and3A_83 = vector.broadcast %and3A_82 : i32 to vector<16xi32>
        %and3A_84 = arith.andi %get3A_81, %and3A_83 : vector<16xi32>
        %swap3A_85 = arith.constant 16 : index
        %swap3A_86 = tpu.vector_load %arg6[%swap3A_85] {strides = array<i32>} : memref<128xi32, #tpu.memory_space<vmem>>, vector<16xi32>,
        %swap3A_87 = vector.shape_cast %swap3A_86 : vector<16xi32> to vector<16xi32>
        %swap3A_88 = vector.shape_cast %and3A_84 : vector<16xi32> to vector<16xi32>
        tpu.vector_store %arg6[%swap3A_85], %swap3A_88 {strides = array<i32>} : memref<128xi32, #tpu.memory_space<vmem>>, vector<16xi32>,
        %shift_right_logical3A_89 = arith.constant 16 : i32
        %shift_right_logical3A_90 = vector.broadcast %shift_right_logical3A_89 : i32 to vector<16xi32>
        %shift_right_logical3A_91 = arith.shrui %get3A_81, %shift_right_logical3A_90 : vector<16xi32>
        %swap3A_92 = arith.constant 16 : index
        %swap3A_93 = tpu.vector_load %arg7[%swap3A_92] {strides = array<i32>} : memref<128xi32, #tpu.memory_space<vmem>>, vector<16xi32>,
        %swap3A_94 = vector.shape_cast %swap3A_93 : vector<16xi32> to vector<16xi32>
        %swap3A_95 = vector.shape_cast %shift_right_logical3A_91 : vector<16xi32> to vector<16xi32>
        tpu.vector_store %arg7[%swap3A_92], %swap3A_95 {strides = array<i32>} : memref<128xi32, #tpu.memory_space<vmem>>, vector<16xi32>,
        %get3A_96 = arith.index_cast %scan3A_63 : i32 to index
        %get3A_97 = arith.constant 32 : index
        %get3A_98 = tpu.vector_load %arg5[%get3A_96, %get3A_97] {strides = array<i32>} : memref<56x128xi32, #tpu.memory_space<vmem>>, vector<1x16xi32>,
        %get3A_99 = vector.shape_cast %get3A_98 : vector<1x16xi32> to vector<16xi32>
        %and3A_100 = arith.constant 65535 : i32
        %and3A_101 = vector.broadcast %and3A_100 : i32 to vector<16xi32>
        %and3A_102 = arith.andi %get3A_99, %and3A_101 : vector<16xi32>
        %swap3A_103 = arith.constant 32 : index
        %swap3A_104 = tpu.vector_load %arg6[%swap3A_103] {strides = array<i32>} : memref<128xi32, #tpu.memory_space<vmem>>, vector<16xi32>,
        %swap3A_105 = vector.shape_cast %swap3A_104 : vector<16xi32> to vector<16xi32>
        %swap3A_106 = vector.shape_cast %and3A_102 : vector<16xi32> to vector<16xi32>
        tpu.vector_store %arg6[%swap3A_103], %swap3A_106 {strides = array<i32>} : memref<128xi32, #tpu.memory_space<vmem>>, vector<16xi32>,
        %shift_right_logical3A_107 = arith.constant 16 : i32
        %shift_right_logical3A_108 = vector.broadcast %shift_right_logical3A_107 : i32 to vector<16xi32>
        %shift_right_logical3A_109 = arith.shrui %get3A_99, %shift_right_logical3A_108 : vector<16xi32>
        %swap3A_110 = arith.constant 32 : index
        %swap3A_111 = tpu.vector_load %arg7[%swap3A_110] {strides = array<i32>} : memref<128xi32, #tpu.memory_space<vmem>>, vector<16xi32>,
        %swap3A_112 = vector.shape_cast %swap3A_111 : vector<16xi32> to vector<16xi32>
        %swap3A_113 = vector.shape_cast %shift_right_logical3A_109 : vector<16xi32> to vector<16xi32>
        tpu.vector_store %arg7[%swap3A_110], %swap3A_113 {strides = array<i32>} : memref<128xi32, #tpu.memory_space<vmem>>, vector<16xi32>,
        %get3A_114 = arith.index_cast %scan3A_63 : i32 to index
        %get3A_115 = arith.constant 48 : index
        %get3A_116 = tpu.vector_load %arg5[%get3A_114, %get3A_115] {strides = array<i32>} : memref<56x128xi32, #tpu.memory_space<vmem>>, vector<1x16xi32>,
        %get3A_117 = vector.shape_cast %get3A_116 : vector<1x16xi32> to vector<16xi32>
        %and3A_118 = arith.constant 65535 : i32
        %and3A_119 = vector.broadcast %and3A_118 : i32 to vector<16xi32>
        %and3A_120 = arith.andi %get3A_117, %and3A_119 : vector<16xi32>
        %swap3A_121 = arith.constant 48 : index
        %swap3A_122 = tpu.vector_load %arg6[%swap3A_121] {strides = array<i32>} : memref<128xi32, #tpu.memory_space<vmem>>, vector<16xi32>,
        %swap3A_123 = vector.shape_cast %swap3A_122 : vector<16xi32> to vector<16xi32>
        %swap3A_124 = vector.shape_cast %and3A_120 : vector<16xi32> to vector<16xi32>
        tpu.vector_store %arg6[%swap3A_121], %swap3A_124 {strides = array<i32>} : memref<128xi32, #tpu.memory_space<vmem>>, vector<16xi32>,
        %shift_right_logical3A_125 = arith.constant 16 : i32
        %shift_right_logical3A_126 = vector.broadcast %shift_right_logical3A_125 : i32 to vector<16xi32>
        %shift_right_logical3A_127 = arith.shrui %get3A_117, %shift_right_logical3A_126 : vector<16xi32>
        %swap3A_128 = arith.constant 48 : index
        %swap3A_129 = tpu.vector_load %arg7[%swap3A_128] {strides = array<i32>} : memref<128xi32, #tpu.memory_space<vmem>>, vector<16xi32>,
        %swap3A_130 = vector.shape_cast %swap3A_129 : vector<16xi32> to vector<16xi32>
        %swap3A_131 = vector.shape_cast %shift_right_logical3A_127 : vector<16xi32> to vector<16xi32>
        tpu.vector_store %arg7[%swap3A_128], %swap3A_131 {strides = array<i32>} : memref<128xi32, #tpu.memory_space<vmem>>, vector<16xi32>,
        %get3A_132 = arith.index_cast %scan3A_63 : i32 to index
        %get3A_133 = arith.constant 64 : index
        %get3A_134 = tpu.vector_load %arg5[%get3A_132, %get3A_133] {strides = array<i32>} : memref<56x128xi32, #tpu.memory_space<vmem>>, vector<1x16xi32>,
        %get3A_135 = vector.shape_cast %get3A_134 : vector<1x16xi32> to vector<16xi32>
        %and3A_136 = arith.constant 65535 : i32
        %and3A_137 = vector.broadcast %and3A_136 : i32 to vector<16xi32>
        %and3A_138 = arith.andi %get3A_135, %and3A_137 : vector<16xi32>
        %swap3A_139 = arith.constant 64 : index
        %swap3A_140 = tpu.vector_load %arg6[%swap3A_139] {strides = array<i32>} : memref<128xi32, #tpu.memory_space<vmem>>, vector<16xi32>,
        %swap3A_141 = vector.shape_cast %swap3A_140 : vector<16xi32> to vector<16xi32>
        %swap3A_142 = vector.shape_cast %and3A_138 : vector<16xi32> to vector<16xi32>
        tpu.vector_store %arg6[%swap3A_139], %swap3A_142 {strides = array<i32>} : memref<128xi32, #tpu.memory_space<vmem>>, vector<16xi32>,
        %shift_right_logical3A_143 = arith.constant 16 : i32
        %shift_right_logical3A_144 = vector.broadcast %shift_right_logical3A_143 : i32 to vector<16xi32>
        %shift_right_logical3A_145 = arith.shrui %get3A_135, %shift_right_logical3A_144 : vector<16xi32>
        %swap3A_146 = arith.constant 64 : index
        %swap3A_147 = tpu.vector_load %arg7[%swap3A_146] {strides = array<i32>} : memref<128xi32, #tpu.memory_space<vmem>>, vector<16xi32>,
        %swap3A_148 = vector.shape_cast %swap3A_147 : vector<16xi32> to vector<16xi32>
        %swap3A_149 = vector.shape_cast %shift_right_logical3A_145 : vector<16xi32> to vector<16xi32>
        tpu.vector_store %arg7[%swap3A_146], %swap3A_149 {strides = array<i32>} : memref<128xi32, #tpu.memory_space<vmem>>, vector<16xi32>,
        %get3A_150 = arith.index_cast %scan3A_63 : i32 to index
        %get3A_151 = arith.constant 80 : index
        %get3A_152 = tpu.vector_load %arg5[%get3A_150, %get3A_151] {strides = array<i32>} : memref<56x128xi32, #tpu.memory_space<vmem>>, vector<1x16xi32>,
        %get3A_153 = vector.shape_cast %get3A_152 : vector<1x16xi32> to vector<16xi32>
        %and3A_154 = arith.constant 65535 : i32
        %and3A_155 = vector.broadcast %and3A_154 : i32 to vector<16xi32>
        %and3A_156 = arith.andi %get3A_153, %and3A_155 : vector<16xi32>
        %swap3A_157 = arith.constant 80 : index
        %swap3A_158 = tpu.vector_load %arg6[%swap3A_157] {strides = array<i32>} : memref<128xi32, #tpu.memory_space<vmem>>, vector<16xi32>,
        %swap3A_159 = vector.shape_cast %swap3A_158 : vector<16xi32> to vector<16xi32>
        %swap3A_160 = vector.shape_cast %and3A_156 : vector<16xi32> to vector<16xi32>
        tpu.vector_store %arg6[%swap3A_157], %swap3A_160 {strides = array<i32>} : memref<128xi32, #tpu.memory_space<vmem>>, vector<16xi32>,
        %shift_right_logical3A_161 = arith.constant 16 : i32
        %shift_right_logical3A_162 = vector.broadcast %shift_right_logical3A_161 : i32 to vector<16xi32>
        %shift_right_logical3A_163 = arith.shrui %get3A_153, %shift_right_logical3A_162 : vector<16xi32>
        %swap3A_164 = arith.constant 80 : index
        %swap3A_165 = tpu.vector_load %arg7[%swap3A_164] {strides = array<i32>} : memref<128xi32, #tpu.memory_space<vmem>>, vector<16xi32>,
        %swap3A_166 = vector.shape_cast %swap3A_165 : vector<16xi32> to vector<16xi32>
        %swap3A_167 = vector.shape_cast %shift_right_logical3A_163 : vector<16xi32> to vector<16xi32>
        tpu.vector_store %arg7[%swap3A_164], %swap3A_167 {strides = array<i32>} : memref<128xi32, #tpu.memory_space<vmem>>, vector<16xi32>,
        %get3A_168 = arith.index_cast %scan3A_63 : i32 to index
        %get3A_169 = arith.constant 96 : index
        %get3A_170 = tpu.vector_load %arg5[%get3A_168, %get3A_169] {strides = array<i32>} : memref<56x128xi32, #tpu.memory_space<vmem>>, vector<1x16xi32>,
        %get3A_171 = vector.shape_cast %get3A_170 : vector<1x16xi32> to vector<16xi32>
        %and3A_172 = arith.constant 65535 : i32
        %and3A_173 = vector.broadcast %and3A_172 : i32 to vector<16xi32>
        %and3A_174 = arith.andi %get3A_171, %and3A_173 : vector<16xi32>
        %swap3A_175 = arith.constant 96 : index
        %swap3A_176 = tpu.vector_load %arg6[%swap3A_175] {strides = array<i32>} : memref<128xi32, #tpu.memory_space<vmem>>, vector<16xi32>,
        %swap3A_177 = vector.shape_cast %swap3A_176 : vector<16xi32> to vector<16xi32>
        %swap3A_178 = vector.shape_cast %and3A_174 : vector<16xi32> to vector<16xi32>
        tpu.vector_store %arg6[%swap3A_175], %swap3A_178 {strides = array<i32>} : memref<128xi32, #tpu.memory_space<vmem>>, vector<16xi32>,
        %shift_right_logical3A_179 = arith.constant 16 : i32
        %shift_right_logical3A_180 = vector.broadcast %shift_right_logical3A_179 : i32 to vector<16xi32>
        %shift_right_logical3A_181 = arith.shrui %get3A_171, %shift_right_logical3A_180 : vector<16xi32>
        %swap3A_182 = arith.constant 96 : index
        %swap3A_183 = tpu.vector_load %arg7[%swap3A_182] {strides = array<i32>} : memref<128xi32, #tpu.memory_space<vmem>>, vector<16xi32>,
        %swap3A_184 = vector.shape_cast %swap3A_183 : vector<16xi32> to vector<16xi32>
        %swap3A_185 = vector.shape_cast %shift_right_logical3A_181 : vector<16xi32> to vector<16xi32>
        tpu.vector_store %arg7[%swap3A_182], %swap3A_185 {strides = array<i32>} : memref<128xi32, #tpu.memory_space<vmem>>, vector<16xi32>,
        %get3A_186 = arith.index_cast %scan3A_63 : i32 to index
        %get3A_187 = arith.constant 112 : index
        %get3A_188 = tpu.vector_load %arg5[%get3A_186, %get3A_187] {strides = array<i32>} : memref<56x128xi32, #tpu.memory_space<vmem>>, vector<1x16xi32>,
        %get3A_189 = vector.shape_cast %get3A_188 : vector<1x16xi32> to vector<16xi32>
        %and3A_190 = arith.constant 65535 : i32
        %and3A_191 = vector.broadcast %and3A_190 : i32 to vector<16xi32>
        %and3A_192 = arith.andi %get3A_189, %and3A_191 : vector<16xi32>
        %swap3A_193 = arith.constant 112 : index
        %swap3A_194 = tpu.vector_load %arg6[%swap3A_193] {strides = array<i32>} : memref<128xi32, #tpu.memory_space<vmem>>, vector<16xi32>,
        %swap3A_195 = vector.shape_cast %swap3A_194 : vector<16xi32> to vector<16xi32>
        %swap3A_196 = vector.shape_cast %and3A_192 : vector<16xi32> to vector<16xi32>
        tpu.vector_store %arg6[%swap3A_193], %swap3A_196 {strides = array<i32>} : memref<128xi32, #tpu.memory_space<vmem>>, vector<16xi32>,
        %shift_right_logical3A_197 = arith.constant 16 : i32
        %shift_right_logical3A_198 = vector.broadcast %shift_right_logical3A_197 : i32 to vector<16xi32>
        %shift_right_logical3A_199 = arith.shrui %get3A_189, %shift_right_logical3A_198 : vector<16xi32>
        %swap3A_200 = arith.constant 112 : index
        %swap3A_201 = tpu.vector_load %arg7[%swap3A_200] {strides = array<i32>} : memref<128xi32, #tpu.memory_space<vmem>>, vector<16xi32>,
        %swap3A_202 = vector.shape_cast %swap3A_201 : vector<16xi32> to vector<16xi32>
        %swap3A_203 = vector.shape_cast %shift_right_logical3A_199 : vector<16xi32> to vector<16xi32>
        tpu.vector_store %arg7[%swap3A_200], %swap3A_203 {strides = array<i32>} : memref<128xi32, #tpu.memory_space<vmem>>, vector<16xi32>,
        "tpu.region"() ({
          %run_scoped3A = tpu.sem_alloc : memref<!tpu.dma_semaphore, #tpu.memory_space<semaphore_mem>>
          %dma_start3A = arith.constant 0 : i32
          %dma_start3A_204 = arith.constant 0 : i32
          %dma_start3A_205 = tpu.memref_slice %arg2[%dma_start3A, %dma_start3A_204] : memref<50000x128xf32, #tpu.memory_space<hbm>> -> memref<50000x128xf32, #tpu.memory_space<hbm>>
          tpu.enqueue_indirect_dma source(%dma_start3A_205 : memref<50000x128xf32, #tpu.memory_space<hbm>>) target(%arg8 : memref<128x128xf32, #tpu.memory_space<vmem>>) offsets(%arg6 : memref<128xi32, #tpu.memory_space<vmem>>) semaphore(%run_scoped3A : memref<!tpu.dma_semaphore, #tpu.memory_space<semaphore_mem>>)
          %dma_wait3A = arith.constant 0 : i32
          %dma_wait3A_206 = arith.constant 0 : i32
          %dma_wait3A_207 = tpu.memref_slice %arg2[%dma_wait3A, %dma_wait3A_206] : memref<50000x128xf32, #tpu.memory_space<hbm>> -> memref<50000x128xf32, #tpu.memory_space<hbm>>
          tpu.wait_indirect_dma semaphore(%run_scoped3A : memref<!tpu.dma_semaphore, #tpu.memory_space<semaphore_mem>>) src(%dma_wait3A_207 : memref<50000x128xf32, #tpu.memory_space<hbm>>) dst(%arg8 : memref<128x128xf32, #tpu.memory_space<vmem>>)
          tpu.yield
        }) : () -> ()
        "tpu.region"() ({
          %run_scoped3A = tpu.sem_alloc : memref<!tpu.dma_semaphore, #tpu.memory_space<semaphore_mem>>
          %dma_start3A = arith.constant 0 : i32
          %dma_start3A_204 = arith.constant 0 : i32
          %dma_start3A_205 = tpu.memref_slice %arg10[%dma_start3A, %dma_start3A_204] : memref<12800x128xf32, #tpu.memory_space<vmem_shared>> -> memref<12800x128xf32, #tpu.memory_space<vmem_shared>>
          tpu.enqueue_indirect_dma source(%arg8 : memref<128x128xf32, #tpu.memory_space<vmem>>) target(%dma_start3A_205 : memref<12800x128xf32, #tpu.memory_space<vmem_shared>>) offsets(%arg7 : memref<128xi32, #tpu.memory_space<vmem>>) semaphore(%run_scoped3A : memref<!tpu.dma_semaphore, #tpu.memory_space<semaphore_mem>>) {add = true}
          %dma_wait3A = arith.constant 0 : i32
          %dma_wait3A_206 = arith.constant 0 : i32
          %dma_wait3A_207 = tpu.memref_slice %arg10[%dma_wait3A, %dma_wait3A_206] : memref<12800x128xf32, #tpu.memory_space<vmem_shared>> -> memref<12800x128xf32, #tpu.memory_space<vmem_shared>>
          tpu.wait_indirect_dma semaphore(%run_scoped3A : memref<!tpu.dma_semaphore, #tpu.memory_space<semaphore_mem>>) src(%arg8 : memref<128x128xf32, #tpu.memory_space<vmem>>) dst(%dma_wait3A_207 : memref<12800x128xf32, #tpu.memory_space<vmem_shared>>)
          tpu.yield
        }) : () -> ()
      }
      %scan3A_62 = arith.constant 56 : i32
    }
    %scan3A_45 = arith.constant 7 : i32
    %barrier3A_46 = arith.constant 0 : index
    tpu.barrier barrier_id(%barrier3A_46)
    %mul3A_47 = arith.constant 784 : i32
    %mul3A_48 = arith.muli %arg1, %mul3A_47 : i32
    %mul3A_49 = arith.constant 12544 : i32
    %mul3A_50 = arith.muli %add3A_30, %mul3A_49 : i32
    %mul3A_51 = arith.constant 784 : i32
    %mul3A_52 = arith.muli %arg1, %mul3A_51 : i32
    %add3A_53 = arith.addi %mul3A_50, %mul3A_52 : i32
    "tpu.region"() ({
      %run_scoped3A = tpu.sem_alloc : memref<!tpu.dma_semaphore, #tpu.memory_space<semaphore_mem>>
      %dma_start3A = arith.constant 0 : i32
      %dma_start3A_55 = tpu.memref_slice %arg4[%add3A_53, %dma_start3A] : memref<50176x128xf32, #tpu.memory_space<hbm>> -> memref<784x128xf32, #tpu.memory_space<hbm>>
      %dma_start3A_56 = arith.constant 0 : i32
      %dma_start3A_57 = tpu.memref_slice %arg10[%mul3A_48, %dma_start3A_56] : memref<12800x128xf32, #tpu.memory_space<vmem_shared>> -> memref<784x128xf32, #tpu.memory_space<vmem_shared>>
      tpu.enqueue_dma source(%dma_start3A_57 : memref<784x128xf32, #tpu.memory_space<vmem_shared>>) target(%dma_start3A_55 : memref<784x128xf32, #tpu.memory_space<hbm>>) target_semaphore(%run_scoped3A : memref<!tpu.dma_semaphore, #tpu.memory_space<semaphore_mem>>)
      %dma_wait3A = arith.constant 0 : i32
      %dma_wait3A_58 = tpu.memref_slice %arg4[%add3A_53, %dma_wait3A] : memref<50176x128xf32, #tpu.memory_space<hbm>> -> memref<784x128xf32, #tpu.memory_space<hbm>>
      %dma_wait3A_59 = arith.constant 0 : i32
      %dma_wait3A_60 = tpu.memref_slice %arg10[%mul3A_48, %dma_wait3A_59] : memref<12800x128xf32, #tpu.memory_space<vmem_shared>> -> memref<784x128xf32, #tpu.memory_space<vmem_shared>>
      tpu.wait_dma2 semaphore(%run_scoped3A : memref<!tpu.dma_semaphore, #tpu.memory_space<semaphore_mem>>) src(%dma_wait3A_60 : memref<784x128xf32, #tpu.memory_space<vmem_shared>>) dst(%dma_wait3A_58 : memref<784x128xf32, #tpu.memory_space<hbm>>)
      tpu.yield
    }) : () -> ()
    %barrier3A_54 = arith.constant 0 : index
    tpu.barrier barrier_id(%barrier3A_54)
    return
  }
}

module attributes {stable_mosaic.version = 14 : i64} {
  func.func @_tc1_body(%arg0: i32, %arg1: memref<784x8xf32, #tpu.memory_space<vmem>>, %arg2: memref<8x64xf32, #tpu.memory_space<vmem>>, %arg3: memref<1x64xf32, #tpu.memory_space<vmem>>, %arg4: memref<64x64xf32, #tpu.memory_space<vmem>>, %arg5: memref<64x64xf32, #tpu.memory_space<vmem>>, %arg6: memref<784x128xf32, #tpu.memory_space<vmem>>, %arg7: memref<784x64xf32, #tpu.memory_space<vmem>>) attributes {dimension_semantics = [#tpu.dimension_semantics<arbitrary>], iteration_bounds = array<i64: 64>, scalar_prefetch = 0 : i64, scratch_operands = 0 : i64, tpu.core_type = #tpu.core_type<tc>, window_params = [{transform_indices = @transform_0, window_bounds = array<i64: 784, 8>}, {pipeline_mode = #tpu.pipeline_mode<synchronous>, transform_indices = @transform_1, window_bounds = array<i64: 8, 64>}, {pipeline_mode = #tpu.pipeline_mode<synchronous>, transform_indices = @transform_2, window_bounds = array<i64: 1, 64>}, {pipeline_mode = #tpu.pipeline_mode<synchronous>, transform_indices = @transform_3, window_bounds = array<i64: 64, 64>}, {pipeline_mode = #tpu.pipeline_mode<synchronous>, transform_indices = @transform_4, window_bounds = array<i64: 64, 64>}, {transform_indices = @transform_5, window_bounds = array<i64: 784, 128>}, {transform_indices = @transform_6, window_bounds = array<i64: 784, 64>}]} {
    %get3A = arith.constant 0 : index
    %get3A_0 = arith.constant 0 : index
    %get3A_1 = vector.load %arg1[%get3A, %get3A_0] : memref<784x8xf32, #tpu.memory_space<vmem>>, vector<784x8xf32>
    %get3A_2 = arith.constant 0 : index
    %get3A_3 = arith.constant 0 : index
    %get3A_4 = vector.load %arg2[%get3A_2, %get3A_3] : memref<8x64xf32, #tpu.memory_space<vmem>>, vector<8x64xf32>
    %dot_general3A = arith.constant dense<0.000000e+00> : vector<784x64xf32>
    %dot_general3A_5 = tpu.matmul %get3A_1, %get3A_4, %dot_general3A {dimension_numbers = #tpu.dot_dimension_numbers<[1], [0], [0], [1], [0, 0, 1, 1], [], []>, transpose_lhs_hint = false} : vector<784x8xf32>, vector<8x64xf32>, vector<784x64xf32> -> vector<784x64xf32>
    %get3A_6 = arith.constant 0 : index
    %get3A_7 = arith.constant 0 : index
    %get3A_8 = vector.load %arg3[%get3A_6, %get3A_7] : memref<1x64xf32, #tpu.memory_space<vmem>>, vector<1x64xf32>
    %add3A = vector.broadcast %get3A_8 : vector<1x64xf32> to vector<784x64xf32>
    %add3A_9 = arith.addf %dot_general3A_5, %add3A : vector<784x64xf32>
    %max3A = arith.constant 0.000000e+00 : f32
    %max3A_10 = vector.broadcast %max3A : f32 to vector<784x64xf32>
    %max3A_11 = arith.maximumf %add3A_9, %max3A_10 : vector<784x64xf32>
    %get3A_12 = arith.constant 0 : index
    %get3A_13 = arith.constant 0 : index
    %get3A_14 = vector.load %arg4[%get3A_12, %get3A_13] : memref<64x64xf32, #tpu.memory_space<vmem>>, vector<64x64xf32>
    %dot_general3A_15 = arith.constant dense<0.000000e+00> : vector<784x64xf32>
    %dot_general3A_16 = tpu.matmul %max3A_11, %get3A_14, %dot_general3A_15 {dimension_numbers = #tpu.dot_dimension_numbers<[1], [0], [0], [1], [0, 0, 1, 1], [], []>, transpose_lhs_hint = false} : vector<784x64xf32>, vector<64x64xf32>, vector<784x64xf32> -> vector<784x64xf32>
    %broadcast_in_dim3A = arith.constant 0.000000e+00 : f32
    %broadcast_in_dim3A_17 = vector.broadcast %broadcast_in_dim3A : f32 to vector<784x64xf32>
    %concatenate3A = tpu.concatenate %dot_general3A_16, %broadcast_in_dim3A_17 in 1 : vector<784x64xf32>, vector<784x64xf32> -> vector<784x128xf32>
    %swap3A = arith.constant 0 : index
    %swap3A_18 = arith.constant 0 : index
    %swap3A_19 = vector.load %arg6[%swap3A, %swap3A_18] : memref<784x128xf32, #tpu.memory_space<vmem>>, vector<784x128xf32>
    tpu.vector_store %arg6[%swap3A, %swap3A_18], %concatenate3A {strides = array<i32>} : memref<784x128xf32, #tpu.memory_space<vmem>>, vector<784x128xf32>,
    %get3A_20 = arith.constant 0 : index
    %get3A_21 = arith.constant 0 : index
    %get3A_22 = vector.load %arg5[%get3A_20, %get3A_21] : memref<64x64xf32, #tpu.memory_space<vmem>>, vector<64x64xf32>
    %dot_general3A_23 = arith.constant dense<0.000000e+00> : vector<784x64xf32>
    %dot_general3A_24 = tpu.matmul %max3A_11, %get3A_22, %dot_general3A_23 {dimension_numbers = #tpu.dot_dimension_numbers<[1], [0], [0], [1], [0, 0, 1, 1], [], []>, transpose_lhs_hint = false} : vector<784x64xf32>, vector<64x64xf32>, vector<784x64xf32> -> vector<784x64xf32>
    %swap3A_25 = arith.constant 0 : index
    %swap3A_26 = arith.constant 0 : index
    %swap3A_27 = vector.load %arg7[%swap3A_25, %swap3A_26] : memref<784x64xf32, #tpu.memory_space<vmem>>, vector<784x64xf32>
    tpu.vector_store %arg7[%swap3A_25, %swap3A_26], %dot_general3A_24 {strides = array<i32>} : memref<784x64xf32, #tpu.memory_space<vmem>>, vector<784x64xf32>,
    return
  }
  func.func @transform_0(%arg0: i32) -> (i32, i32) {
    %c0_i32 = arith.constant 0 : i32
    %c0_i32_0 = arith.constant 0 : i32
    return %arg0, %c0_i32 : i32, i32
  }
  func.func @transform_1(%arg0: i32) -> (i32, i32) {
    %c0_i32 = arith.constant 0 : i32
    %c0_i32_0 = arith.constant 0 : i32
    %c0_i32_1 = arith.constant 0 : i32
    return %c0_i32, %c0_i32_0 : i32, i32
  }
  func.func @transform_2(%arg0: i32) -> (i32, i32) {
    %c0_i32 = arith.constant 0 : i32
    %c0_i32_0 = arith.constant 0 : i32
    %c0_i32_1 = arith.constant 0 : i32
    return %c0_i32, %c0_i32_0 : i32, i32
  }
  func.func @transform_3(%arg0: i32) -> (i32, i32) {
    %c0_i32 = arith.constant 0 : i32
    %c0_i32_0 = arith.constant 0 : i32
    %c0_i32_1 = arith.constant 0 : i32
    return %c0_i32, %c0_i32_0 : i32, i32
  }
  func.func @transform_4(%arg0: i32) -> (i32, i32) {
    %c0_i32 = arith.constant 0 : i32
    %c0_i32_0 = arith.constant 0 : i32
    %c0_i32_1 = arith.constant 0 : i32
    return %c0_i32, %c0_i32_0 : i32, i32
  }
  func.func @transform_5(%arg0: i32) -> (i32, i32) {
    %c0_i32 = arith.constant 0 : i32
    %c0_i32_0 = arith.constant 0 : i32
    return %arg0, %c0_i32 : i32, i32
  }
  func.func @transform_6(%arg0: i32) -> (i32, i32) {
    %c0_i32 = arith.constant 0 : i32
    %c0_i32_0 = arith.constant 0 : i32
    return %arg0, %c0_i32 : i32, i32
  }
}

module attributes {stable_mosaic.version = 14 : i64} {
  func.func @_tc2_body(%arg0: i32, %arg1: memref<784x128xf32, #tpu.memory_space<vmem>>, %arg2: memref<784x64xf32, #tpu.memory_space<vmem>>, %arg3: memref<1x64xf32, #tpu.memory_space<vmem>>, %arg4: memref<64x64xf32, #tpu.memory_space<vmem>>, %arg5: memref<64x64xf32, #tpu.memory_space<vmem>>, %arg6: memref<784x128xf32, #tpu.memory_space<vmem>>, %arg7: memref<784x64xf32, #tpu.memory_space<vmem>>) attributes {dimension_semantics = [#tpu.dimension_semantics<arbitrary>], iteration_bounds = array<i64: 64>, scalar_prefetch = 0 : i64, scratch_operands = 0 : i64, tpu.core_type = #tpu.core_type<tc>, window_params = [{transform_indices = @transform_0, window_bounds = array<i64: 784, 128>}, {transform_indices = @transform_1, window_bounds = array<i64: 784, 64>}, {pipeline_mode = #tpu.pipeline_mode<synchronous>, transform_indices = @transform_2, window_bounds = array<i64: 1, 64>}, {pipeline_mode = #tpu.pipeline_mode<synchronous>, transform_indices = @transform_3, window_bounds = array<i64: 64, 64>}, {pipeline_mode = #tpu.pipeline_mode<synchronous>, transform_indices = @transform_4, window_bounds = array<i64: 64, 64>}, {transform_indices = @transform_5, window_bounds = array<i64: 784, 128>}, {transform_indices = @transform_6, window_bounds = array<i64: 784, 64>}]} {
    %get3A = arith.constant 0 : index
    %get3A_0 = arith.constant 0 : index
    %get3A_1 = vector.load %arg1[%get3A, %get3A_0] : memref<784x128xf32, #tpu.memory_space<vmem>>, vector<784x64xf32>
    %get3A_2 = arith.constant 0 : index
    %get3A_3 = arith.constant 0 : index
    %get3A_4 = vector.load %arg3[%get3A_2, %get3A_3] : memref<1x64xf32, #tpu.memory_space<vmem>>, vector<1x64xf32>
    %add3A = vector.broadcast %get3A_4 : vector<1x64xf32> to vector<784x64xf32>
    %add3A_5 = arith.addf %get3A_1, %add3A : vector<784x64xf32>
    %get3A_6 = arith.constant 0 : index
    %get3A_7 = arith.constant 0 : index
    %get3A_8 = vector.load %arg2[%get3A_6, %get3A_7] : memref<784x64xf32, #tpu.memory_space<vmem>>, vector<784x64xf32>
    %add3A_9 = arith.addf %add3A_5, %get3A_8 : vector<784x64xf32>
    %max3A = arith.constant 0.000000e+00 : f32
    %max3A_10 = vector.broadcast %max3A : f32 to vector<784x64xf32>
    %max3A_11 = arith.maximumf %add3A_9, %max3A_10 : vector<784x64xf32>
    %get3A_12 = arith.constant 0 : index
    %get3A_13 = arith.constant 0 : index
    %get3A_14 = vector.load %arg4[%get3A_12, %get3A_13] : memref<64x64xf32, #tpu.memory_space<vmem>>, vector<64x64xf32>
    %dot_general3A = arith.constant dense<0.000000e+00> : vector<784x64xf32>
    %dot_general3A_15 = tpu.matmul %max3A_11, %get3A_14, %dot_general3A {dimension_numbers = #tpu.dot_dimension_numbers<[1], [0], [0], [1], [0, 0, 1, 1], [], []>, transpose_lhs_hint = false} : vector<784x64xf32>, vector<64x64xf32>, vector<784x64xf32> -> vector<784x64xf32>
    %broadcast_in_dim3A = arith.constant 0.000000e+00 : f32
    %broadcast_in_dim3A_16 = vector.broadcast %broadcast_in_dim3A : f32 to vector<784x64xf32>
    %concatenate3A = tpu.concatenate %dot_general3A_15, %broadcast_in_dim3A_16 in 1 : vector<784x64xf32>, vector<784x64xf32> -> vector<784x128xf32>
    %swap3A = arith.constant 0 : index
    %swap3A_17 = arith.constant 0 : index
    %swap3A_18 = vector.load %arg6[%swap3A, %swap3A_17] : memref<784x128xf32, #tpu.memory_space<vmem>>, vector<784x128xf32>
    tpu.vector_store %arg6[%swap3A, %swap3A_17], %concatenate3A {strides = array<i32>} : memref<784x128xf32, #tpu.memory_space<vmem>>, vector<784x128xf32>,
    %get3A_19 = arith.constant 0 : index
    %get3A_20 = arith.constant 0 : index
    %get3A_21 = vector.load %arg5[%get3A_19, %get3A_20] : memref<64x64xf32, #tpu.memory_space<vmem>>, vector<64x64xf32>
    %dot_general3A_22 = arith.constant dense<0.000000e+00> : vector<784x64xf32>
    %dot_general3A_23 = tpu.matmul %max3A_11, %get3A_21, %dot_general3A_22 {dimension_numbers = #tpu.dot_dimension_numbers<[1], [0], [0], [1], [0, 0, 1, 1], [], []>, transpose_lhs_hint = false} : vector<784x64xf32>, vector<64x64xf32>, vector<784x64xf32> -> vector<784x64xf32>
    %swap3A_24 = arith.constant 0 : index
    %swap3A_25 = arith.constant 0 : index
    %swap3A_26 = vector.load %arg7[%swap3A_24, %swap3A_25] : memref<784x64xf32, #tpu.memory_space<vmem>>, vector<784x64xf32>
    tpu.vector_store %arg7[%swap3A_24, %swap3A_25], %dot_general3A_23 {strides = array<i32>} : memref<784x64xf32, #tpu.memory_space<vmem>>, vector<784x64xf32>,
    return
  }
  func.func @transform_0(%arg0: i32) -> (i32, i32) {
    %c0_i32 = arith.constant 0 : i32
    %c0_i32_0 = arith.constant 0 : i32
    return %arg0, %c0_i32 : i32, i32
  }
  func.func @transform_1(%arg0: i32) -> (i32, i32) {
    %c0_i32 = arith.constant 0 : i32
    %c0_i32_0 = arith.constant 0 : i32
    return %arg0, %c0_i32 : i32, i32
  }
  func.func @transform_2(%arg0: i32) -> (i32, i32) {
    %c0_i32 = arith.constant 0 : i32
    %c0_i32_0 = arith.constant 0 : i32
    %c0_i32_1 = arith.constant 0 : i32
    return %c0_i32, %c0_i32_0 : i32, i32
  }
  func.func @transform_3(%arg0: i32) -> (i32, i32) {
    %c0_i32 = arith.constant 0 : i32
    %c0_i32_0 = arith.constant 0 : i32
    %c0_i32_1 = arith.constant 0 : i32
    return %c0_i32, %c0_i32_0 : i32, i32
  }
  func.func @transform_4(%arg0: i32) -> (i32, i32) {
    %c0_i32 = arith.constant 0 : i32
    %c0_i32_0 = arith.constant 0 : i32
    %c0_i32_1 = arith.constant 0 : i32
    return %c0_i32, %c0_i32_0 : i32, i32
  }
  func.func @transform_5(%arg0: i32) -> (i32, i32) {
    %c0_i32 = arith.constant 0 : i32
    %c0_i32_0 = arith.constant 0 : i32
    return %arg0, %c0_i32 : i32, i32
  }
  func.func @transform_6(%arg0: i32) -> (i32, i32) {
    %c0_i32 = arith.constant 0 : i32
    %c0_i32_0 = arith.constant 0 : i32
    return %arg0, %c0_i32 : i32, i32
  }
}

module attributes {stable_mosaic.version = 14 : i64} {
  func.func @_tc3_body(%arg0: i32, %arg1: memref<784x128xf32, #tpu.memory_space<vmem>>, %arg2: memref<784x64xf32, #tpu.memory_space<vmem>>, %arg3: memref<1x64xf32, #tpu.memory_space<vmem>>, %arg4: memref<64x2xf32, #tpu.memory_space<vmem>>, %arg5: memref<1x2xf32, #tpu.memory_space<vmem>>, %arg6: memref<784x2xf32, #tpu.memory_space<vmem>>) attributes {dimension_semantics = [#tpu.dimension_semantics<arbitrary>], iteration_bounds = array<i64: 64>, scalar_prefetch = 0 : i64, scratch_operands = 0 : i64, tpu.core_type = #tpu.core_type<tc>, window_params = [{transform_indices = @transform_0, window_bounds = array<i64: 784, 128>}, {transform_indices = @transform_1, window_bounds = array<i64: 784, 64>}, {pipeline_mode = #tpu.pipeline_mode<synchronous>, transform_indices = @transform_2, window_bounds = array<i64: 1, 64>}, {pipeline_mode = #tpu.pipeline_mode<synchronous>, transform_indices = @transform_3, window_bounds = array<i64: 64, 2>}, {pipeline_mode = #tpu.pipeline_mode<synchronous>, transform_indices = @transform_4, window_bounds = array<i64: 1, 2>}, {transform_indices = @transform_5, window_bounds = array<i64: 784, 2>}]} {
    %get3A = arith.constant 0 : index
    %get3A_0 = arith.constant 0 : index
    %get3A_1 = vector.load %arg1[%get3A, %get3A_0] : memref<784x128xf32, #tpu.memory_space<vmem>>, vector<784x64xf32>
    %get3A_2 = arith.constant 0 : index
    %get3A_3 = arith.constant 0 : index
    %get3A_4 = vector.load %arg3[%get3A_2, %get3A_3] : memref<1x64xf32, #tpu.memory_space<vmem>>, vector<1x64xf32>
    %add3A = vector.broadcast %get3A_4 : vector<1x64xf32> to vector<784x64xf32>
    %add3A_5 = arith.addf %get3A_1, %add3A : vector<784x64xf32>
    %get3A_6 = arith.constant 0 : index
    %get3A_7 = arith.constant 0 : index
    %get3A_8 = vector.load %arg2[%get3A_6, %get3A_7] : memref<784x64xf32, #tpu.memory_space<vmem>>, vector<784x64xf32>
    %add3A_9 = arith.addf %add3A_5, %get3A_8 : vector<784x64xf32>
    %max3A = arith.constant 0.000000e+00 : f32
    %max3A_10 = vector.broadcast %max3A : f32 to vector<784x64xf32>
    %max3A_11 = arith.maximumf %add3A_9, %max3A_10 : vector<784x64xf32>
    %get3A_12 = arith.constant 0 : index
    %get3A_13 = arith.constant 0 : index
    %get3A_14 = vector.load %arg4[%get3A_12, %get3A_13] : memref<64x2xf32, #tpu.memory_space<vmem>>, vector<64x2xf32>
    %dot_general3A = arith.constant dense<0.000000e+00> : vector<784x2xf32>
    %dot_general3A_15 = tpu.matmul %max3A_11, %get3A_14, %dot_general3A {dimension_numbers = #tpu.dot_dimension_numbers<[1], [0], [0], [1], [0, 0, 1, 1], [], []>, transpose_lhs_hint = false} : vector<784x64xf32>, vector<64x2xf32>, vector<784x2xf32> -> vector<784x2xf32>
    %get3A_16 = arith.constant 0 : index
    %get3A_17 = arith.constant 0 : index
    %get3A_18 = vector.load %arg5[%get3A_16, %get3A_17] : memref<1x2xf32, #tpu.memory_space<vmem>>, vector<1x2xf32>
    %add3A_19 = vector.broadcast %get3A_18 : vector<1x2xf32> to vector<784x2xf32>
    %add3A_20 = arith.addf %dot_general3A_15, %add3A_19 : vector<784x2xf32>
    %max3A_21 = arith.constant 0.000000e+00 : f32
    %max3A_22 = vector.broadcast %max3A_21 : f32 to vector<784x2xf32>
    %max3A_23 = arith.maximumf %add3A_20, %max3A_22 : vector<784x2xf32>
    %swap3A = arith.constant 0 : index
    %swap3A_24 = arith.constant 0 : index
    %swap3A_25 = vector.load %arg6[%swap3A, %swap3A_24] : memref<784x2xf32, #tpu.memory_space<vmem>>, vector<784x2xf32>
    tpu.vector_store %arg6[%swap3A, %swap3A_24], %max3A_23 {strides = array<i32>} : memref<784x2xf32, #tpu.memory_space<vmem>>, vector<784x2xf32>,
    return
  }
  func.func @transform_0(%arg0: i32) -> (i32, i32) {
    %c0_i32 = arith.constant 0 : i32
    %c0_i32_0 = arith.constant 0 : i32
    return %arg0, %c0_i32 : i32, i32
  }
  func.func @transform_1(%arg0: i32) -> (i32, i32) {
    %c0_i32 = arith.constant 0 : i32
    %c0_i32_0 = arith.constant 0 : i32
    return %arg0, %c0_i32 : i32, i32
  }
  func.func @transform_2(%arg0: i32) -> (i32, i32) {
    %c0_i32 = arith.constant 0 : i32
    %c0_i32_0 = arith.constant 0 : i32
    %c0_i32_1 = arith.constant 0 : i32
    return %c0_i32, %c0_i32_0 : i32, i32
  }
  func.func @transform_3(%arg0: i32) -> (i32, i32) {
    %c0_i32 = arith.constant 0 : i32
    %c0_i32_0 = arith.constant 0 : i32
    %c0_i32_1 = arith.constant 0 : i32
    return %c0_i32, %c0_i32_0 : i32, i32
  }
  func.func @transform_4(%arg0: i32) -> (i32, i32) {
    %c0_i32 = arith.constant 0 : i32
    %c0_i32_0 = arith.constant 0 : i32
    %c0_i32_1 = arith.constant 0 : i32
    return %c0_i32, %c0_i32_0 : i32, i32
  }
  func.func @transform_5(%arg0: i32) -> (i32, i32) {
    %c0_i32 = arith.constant 0 : i32
    %c0_i32_0 = arith.constant 0 : i32
    return %arg0, %c0_i32 : i32, i32
  }
}

</mosaic_0001>

<sc_bundles>
// kernel: kernel.10.cloned.1.call-start
scs
__scs_entry_jumppad:
0x0: {  	(pc) =	sbr.rel $0x88, $3  }
0x1: {  	(tag) =	ssettag $0x0;
	lr =	simm.s32 $0x1  }
0x2: {  	[smem:$0x3F95] =	sst lr;
	_ =	strace $0xD0000000  }
0x3: {  	_ = 	snop  }
0x4: {  	_ = 	snop  }
0x5: {  	_ = 	snop  }
0x6: {  	_ = 	snop  }
0x7: {  	_ = 	snop  }
__scs_overlays_trampoline_lowered:
0x8: {  	[smem:$0x3FA4] =	sst s0  }
0x9: {  	[smem:$0x3FA5] =	sst s1  }
0xa: {  	[smem:$0x3FA6] =	sst s2  }
0xb: {  	[smem:$0x3FA7] =	sst s3  }
0xc: {  	[smem:$0x3FA8] =	sst s4  }
0xd: {  	[smem:$0x3FA9] =	sst s5  }
0xe: {  	[smem:$0x3FAA] =	sst s6  }
0xf: {  	[smem:$0x3FAB] =	sst s7  }
0x10: {  	[smem:$0x3FAC] =	sst s8  }
0x11: {  	[smem:$0x3FAD] =	sst s9;
	s0 =	simm.s32 @!p0 $0x0  }
0x12: {  	s1 =	sld [smem:$0x3F93];
	s0 =	simm.s32 @p0 $0x1  }
0x13: {  	[smem:$0x3FAE] =	sst s0;
	s0 =	simm.s32 @!p1 $0x0  }
0x14: {  	s2 =	sld [smem:$0x3F92];
	s0 =	simm.s32 @p1 $0x1  }
0x15: {  	[smem:$0x3FAF] =	sst s0;
	s0 =	simm.s32 @!p2 $0x0  }
0x16: {  	s3 =	sld [smem:$0x3FDB];
	s0 =	simm.s32 @p2 $0x1  }
0x17: {  	s4 =	simm.s32 $0x1BF5;
	[smem:$0x3FB1] =	sst s0  }
0x18: {  	s0 =	sld [smem:$0x3F94];
	_ =	swait.ge [sflag:s4], $0x0  }
0x19: {  	s7 =	sld [smem:$0x3F95]  }
0x1a: {  	s8 =	sadd.s32 $0xFFFFE003, lr  }
0x1b: {  	s9 =	sadd.s32 $0xFFFFFEF7, lr;
	s5 =	simm.s32 $0xFFFFFFFF;
	p2 =	slt.u32 s8, $0xFFFFF086  }
0x1c: {  	p1 =	slt.u32 s9, $0xF7A;
	s5 =	simm.s32 @!p2 $0x0  }
0x1d: {  	s5 =	simm.s32 @p1 $0x1;
	p0 =	seq.s32 s7, s2  }
0x1e: {  	s7 =	smul.u32 @!p0 $0xF7A, s2;
	p2 =	seq.s32 @!p0 s5, $0x0  }
0x1f: {  	s9 =	smul.u32 $0xF7A, s1;
	s8 =	simm.s32 @!p0 $0x1BF5;
	p2 =	por !p2, p0  }
0x20: {  	[sflag:s8] =	ssyncset.s32 @!p0 $0xFFFFF086;
	s6 =	sadd.s32 @!p0 s3, s7;
	s7 =	simm.s32 @!p0 $0x108  }
0x21: {  	s3 =	sadd.s32 s3, s9;
	s6 =	sadd.s32 @!p0 $0x88, s6;
	s7 =	simm.s32 @p2 $0x1082  }
0x22: {  	[simem:s7], [sflag:s8] =	dma.local @!p0 [hbm:s6], $0xF7A  }
0x23: {  	s9 =	sor.u32 $0xD0000000, s2;
	s6 =	simm.s32 $0x108;
	_ =	swait.ge @!p0 [sflag:s8], $0x0  }
0x24: {  	s3 =	sadd.s32 $0x88, s3;
	s6 =	simm.s32 @!p1 $0x1082;
	[sflag:s4] =	ssyncset.s32 $0xFFFFF086  }
0x25: {  	[simem:s6], [sflag:s4] =	dma.local [hbm:s3], $0xF7A  }
0x26: {  	[smem:$0x3F95] =	sst s1;
	(tag) =	ssettag s2;
	_ =	strace s9  }
0x27: {  	s1 =	sld [smem:$0x3FA5]  }
0x28: {  	s2 =	sld [smem:$0x3FA6]  }
0x29: {  	s4 =	sld [smem:$0x3FA8]  }
0x2a: {  	p0 =	seq.s32 s5, $0x0;
	s5 =	sld [smem:$0x3FA9]  }
0x2b: {  	s6 =	sld [smem:$0x3FAA]  }
0x2c: {  	s7 =	sld [smem:$0x3FAB]  }
0x2d: {  	s3 =	simm.s32 $0x108;
	s8 =	sld [smem:$0x3FAC]  }
0x2e: {  	s3 =	simm.s32 @!p0 $0x1082;
	s9 =	sld [smem:$0x3FAD]  }
0x2f: {  	lr =	sadd.s32 s0, s3;
	s0 =	sld [smem:$0x3FA4]  }
0x30: {  	s3 =	sld [smem:$0x3FA7]  }
0x31: {  	[smem:$0x3FB0] =	sst s10  }
0x32: {  	s10 =	sld [smem:$0x3FAE];
	_ =	sdelay $0x3  }
0x33: {  	p0 =	seq.s32 s10, $0x1;
	s10 =	sld [smem:$0x3FB0];
	_ =	sdelay $0x3  }
0x34: {  	[smem:$0x3FB0] =	sst s10  }
0x35: {  	s10 =	sld [smem:$0x3FAF];
	_ =	sdelay $0x3  }
0x36: {  	p1 =	seq.s32 s10, $0x1;
	s10 =	sld [smem:$0x3FB0];
	_ =	sdelay $0x3  }
0x37: {  	[smem:$0x3FB0] =	sst s10  }
0x38: {  	s10 =	sld [smem:$0x3FB1]  }
0x39: {  	_ = 	snop;
	(pc) =	sbr.ind lr, $3  }
0x3a: {  	_ = 	snop  }
0x3b: {  	_ = 	snop  }
0x3c: {  	p2 =	seq.s32 s10, $0x1;
	s10 =	sld [smem:$0x3FB0]  }
0x3d: {  	_ =	shalt  }
0x3e: {  	_ =	shalt  }
0x3f: {  	_ =	shalt  }
0x40: {  	_ =	shalt  }
0x41: {  	_ =	shalt  }
0x42: {  	_ =	shalt  }
0x43: {  	_ =	shalt  }
0x44: {  	_ =	shalt  }
0x45: {  	_ =	shalt  }
0x46: {  	_ =	shalt  }
0x47: {  	_ =	shalt  }
0x48: {  	_ =	shalt  }
0x49: {  	_ =	shalt  }
0x4a: {  	_ =	shalt  }
0x4b: {  	_ =	shalt  }
0x4c: {  	_ =	shalt  }
0x4d: {  	_ =	shalt  }
0x4e: {  	_ =	shalt  }
0x4f: {  	_ =	shalt  }
0x50: {  	_ =	shalt  }
0x51: {  	_ =	shalt  }
0x52: {  	_ =	shalt  }
0x53: {  	_ =	shalt  }
0x54: {  	_ =	shalt  }
0x55: {  	_ =	shalt  }
0x56: {  	_ =	shalt  }
0x57: {  	_ =	shalt  }
0x58: {  	_ =	shalt  }
0x59: {  	_ =	shalt  }
0x5a: {  	_ =	shalt  }
0x5b: {  	_ =	shalt  }
0x5c: {  	_ =	shalt  }
0x5d: {  	_ =	shalt  }
0x5e: {  	_ =	shalt  }
0x5f: {  	_ =	shalt  }
0x60: {  	_ =	shalt  }
0x61: {  	_ =	shalt  }
0x62: {  	_ =	shalt  }
0x63: {  	_ =	shalt  }
0x64: {  	_ =	shalt  }
0x65: {  	_ =	shalt  }
0x66: {  	_ =	shalt  }
0x67: {  	_ =	shalt  }
0x68: {  	_ =	shalt  }
0x69: {  	_ =	shalt  }
0x6a: {  	_ =	shalt  }
0x6b: {  	_ =	shalt  }
0x6c: {  	_ =	shalt  }
0x6d: {  	_ =	shalt  }
0x6e: {  	_ =	shalt  }
0x6f: {  	_ =	shalt  }
0x70: {  	_ =	shalt  }
0x71: {  	_ =	shalt  }
0x72: {  	_ =	shalt  }
0x73: {  	_ =	shalt  }
0x74: {  	_ =	shalt  }
0x75: {  	_ =	shalt  }
0x76: {  	_ =	shalt  }
0x77: {  	_ =	shalt  }
0x78: {  	_ =	shalt  }
0x79: {  	_ =	shalt  }
0x7a: {  	_ =	shalt  }
0x7b: {  	_ =	shalt  }
0x7c: {  	_ =	shalt  }
0x7d: {  	_ =	shalt  }
0x7e: {  	_ =	shalt  }
0x7f: {  	_ =	shalt  }
0x80: {  	_ =	shalt  }
0x81: {  	_ =	shalt  }
0x82: {  	_ =	shalt  }
0x83: {  	_ =	shalt  }
0x84: {  	_ =	shalt  }
0x85: {  	_ =	shalt  }
0x86: {  	_ =	shalt  }
0x87: {  	_ =	shalt  }
.Lfunc_end0:
.L_simem_size_0:
called_computation.1_lowered:
.L_overlay_start_0:
0x88: {  	s2 =	sld [smem:$0x3FD9]  }
0x89: {  	s3 =	sld [smem:$0x3FFE];
	_ =	sdelay $0x1  }
0x8a: {  	s1 =	srdreg.scid  }
0x8b: {  	s0 =	sand.u32 $0x1, s1  }
0x8c: {  	s16 =	sshll.u32 s0, $0xA;
	s2 =	sadd.s32 s3, s2  }
0x8d: {  	s2 =	sadd.s32 s2, s16  }
0x8e: {  	[smem:$0x3FBC] =	sst s2  }
0x8f: {  	_ = 	snop  }
0x90: {  	(tm) =	ssettm $0x1  }
0x91: {  	s17 =	sld [smem:$0x3FFB];
	_ =	sdelay $0x3  }
0x92: {  	_ =	strace s17  }
0x93: {  	s2 =	sld [smem:$0x3FFC];
	_ =	sdelay $0x3  }
0x94: {  	_ =	strace s2  }
0x95: {  	s2 =	sld [smem:$0x3FFD];
	_ =	sdelay $0x3  }
0x96: {  	_ =	strace s2  }
0x97: {  	_ =	strace $0x8FFFFFFF  }
0x98: {  	s18 =	sld [smem:$0x3FDB];
	_ =	sdelay $0x1  }
0x99: {  	s19 =	simm.s32 $_scs_section_size  }
0x9a: {  	s4 =	simm.s32 $_size__tile_overlayer_lowered;
	s5 =	simm.s32 $_tile_overlayer_lowered  }
0x9b: {  	s22 =	simm.s32 $0x1BFF;
	s21 =	sshll.u32 s5, $0x1;
	s2 =	sadd.s32 s19, s18  }
0x9c: {  	s6 =	simm.s32 $0x0;
	s20 =	sshll.u32 s4, $0x1;
	s4 =	sadd.s32 s21, s2  }
0x9d: {  	[timem:s6], [sflag:s22] =	dma.local [hbm:s4], s20  }
0x9e: {  	_ =	swait.ge [sflag:s22], s20  }
0x9f: {  	s3 =	ssub.s32 $0x0, s20;
	[sflag:s22] =	ssyncset.done $0x0  }
0xa0: {  	[sflag:s22] =	ssyncadd.s32 s3;
	_ =	sdelay $0x1  }
0xa1: {  	s23 =	simm.s32 $0x1B8B  }
0xa2: {  	_ =	swait.ge [sflag:s23], $0x1  }
0xa3: {  	[sflag:s23] =	ssyncset.done $0x0  }
0xa4: {  	s25 =	simm.s32 $0x1B8E;
	s24 =	sld [smem:$0x3FFE];
	[sflag:s23] =	ssyncadd.s32 $0xFFFFFFFF  }
0xa5: {  	s26 =	simm.s32 $execute0_lowered;
	[smem:$0x3FD2] =	sst s25  }
0xa6: {  	s4 =	sshll.u32 s26, $0x1;
	_ =	strace $0x80000049;
	[dreg:$0x1] =	wrdreg $0xFFFFFFFF  }
0xa7: {  	s28 =	simm.s32 $_size_execute0_lowered;
	s2 =	sadd.s32 s2, s4;
	[dreg:$0x0] =	wrdreg $0x0  }
0xa8: {  	s4 =	sshll.u32 s28, $0x1;
	[dreg:$0x2] =	wrdreg s2  }
0xa9: {  	[dreg:$0x3] =	wrdreg s4  }
0xaa: {  	[dreg:$0x4] =	wrdreg $0xC0  }
0xab: {  	_ =	task [dreg:s6], $0x5FFFF  }
0xac: {  	[dreg:$0x1] =	wrdreg $0xFFFFFFFF  }
0xad: {  	[dreg:$0x0] =	wrdreg $0x60  }
0xae: {  	[dreg:$0x2] =	wrdreg s24  }
0xaf: {  	[dreg:$0x3] =	wrdreg $0x6D000  }
0xb0: {  	[dreg:$0x4] =	wrdreg $0x9  }
0xb1: {  	_ =	task.clear_ibuf [dreg:s6], $0x5FFFF;
	_ =	strace $0x90000049  }
0xb2: {  	s29 =	simm.s32 $0x9;
	_ =	strace $0x8000004B  }
0xb3: {  	_ =	swait.ge [sflag:s29], $0x1  }
0xb4: {  	[sflag:s29] =	ssyncadd.s32 $0xFFFFFFFF  }
0xb5: {  	_ =	strace $0x9000004B  }
0xb6: {  	_ =	sfence  }
0xb7: {  	s30 =	sld [smem:$0x0];
	_ =	sdelay $0x2  }
0xb8: {  	s31 =	sshll.u32 s1, $0xD;
	s1 =	sshrl.u32 s1, $0x2  }
0xb9: {  	s3 =	sand.u32 $0x4000, s31;
	s1 =	sadd.s32 s1, s30  }
0xba: {  	s0 =	sor.u32 s3, s0;
	s1 =	sshll.u32 s1, $0x11  }
0xbb: {  	s0 =	sor.u32 s1, s0  }
0xbc: {  	s0 =	sadd.s32 $0x8F2B, s0  }
0xbd: {  	[sflag:s0] =	ssyncadd.remote.s32 $0x1  }
0xbe: {  	_ =	sfence.sel $0xFFFF  }
0xbf: {  	[dreg:$0x0] =	wrdreg $0xFFFFFFFF;
	(pc) =	sbr.abs _section_cstart, $3  }
0xc0: {  	[dreg:$0x1] =	wrdreg $0xFFFFFFFF  }
0xc1: {  	_ =	task.clear_ibuf [dreg:s6], $0x2FFFF;
	_ =	strace $0x9FFFFFFF  }
0xc2: {  	(tm) =	ssettm $0x7FFFFFFF  }
0xc3: {  	_ =	shalt  }
tec
execute0_lowered:
.L_overlay_start_1:
0x0: {  	(tag) =	ssettag $0x1  }
0x1: {  	s5 =	rddreg [dreg:$0x0]  }
0x2: {  	s2 =	rddreg [dreg:$0x1];
	s1 =	stileid.u32  }
0x3: {  	s0 =	rddreg [dreg:$0x2];
	s7 =	smul.u32 $0x64000, s1  }
0x4: {  	s3 =	simm.s32 $0x0;
	s4 =	srdreg.scid;
	s10 =	smul.u32 $0xC400, s1  }
0x5: {  	s17 =	simm.s32 $0x1C80;
	[smem:$0x7FF] =	sst s3;
	s13 =	smul.u32 $0x310, s1  }
0x6: {  	s6 =	sand.u32 $0x1, s4;
	s4 =	sadd.s32 $0x1C00, s5;
	s24 =	smul.u32 $0x62000, s1  }
0x7: {  	s11 =	sadd.s32 $0xC5200, s5;
	s14 =	sadd.s32 $0x1EA800, s5;
	s8 =	smul.u32 $0xC4000, s6  }
0x8: {  	s9 =	ssub.s32 $0x2, s6;
	s15 =	smul.u32 $0x3100, s6;
	s6 =	sor.u32 $0x2, s6  }
0x9: {  	_ =	strace $0x8000004A;
	s12 =	sshrl.u32 s9, $0x1;
	s28 =	smul.u32 $0xC4000, s6  }
0xa: {  	s25 =	sshrl.u32 s7, $0x2;
	s16 =	smul.u32 $0x3100, s6;
	s12 =	ssub.s32 s9, s12  }
0xb: {  	s5 =	sadd.s32 s25, s2;
	s26 =	sadd.s32 s10, s8;
	s9 =	sshrl.u32 s24, $0x2  }
0xc: {  	s29 =	sadd.s32 s13, s15;
	s15 =	simm.s32 $0x1C00;
	s7 =	sshrl.u32 s26, $0x3  }
0xd: {  	s10 =	sadd.s32 s10, s28;
	s13 =	sadd.s32 s13, s16;
	s16 =	simm.s32 $0x1D00  }
0xe: {  	s6 =	sadd.s32 s11, s7;
	s7 =	sadd.s32 s9, s2;
	s9 =	sshll.u32 s29, $0x4  }
0xf: {  	s30 =	sshrl.u32 s10, $0x3;
	s31 =	sshll.u32 s13, $0x4;
	s13 =	simm.s32 $0x1  }
0x10: {  	s8 =	sadd.s32 s14, s9;
	s9 =	sadd.s32 s11, s30;
	s10 =	sadd.s32 s14, s31  }
0x11: {  	v0 =	vimm.f32 $0.0e+00;
	s11 =	smax.u32 s12, $0x1;
	s12 =	simm.s32 $0x5D00;
	s14 =	simm.s32 $0x80  }
.LBB2_1:
0x12: {  	s18 =	simm.s32 $0x0;
	s19 =	simm.s32 $0x200  }
.LBB2_2:
0x13: {  	p0 =	sne.s32 s19, $0x3E00;
	[tilespmem:s18+$0x5D70] =	vst v0  }
0x14: {  	[tilespmem:s18+$0x5D00] =	vst v0  }
0x15: {  	[tilespmem:s18+$0x5D10] =	vst v0  }
.Ltmp0:
0x16: {  	[tilespmem:s18+$0x5D20] =	vst v0;
	(pc) =	sbr.rel @p0 .LBB2_2-.Ltmp0, $4  }
0x17: {  	[tilespmem:s18+$0x5D30] =	vst v0  }
0x18: {  	[tilespmem:s18+$0x5D40] =	vst v0  }
0x19: {  	[tilespmem:s18+$0x5D50] =	vst v0  }
0x1a: {  	[tilespmem:s18+$0x5D60] =	vst v0;
	s18 =	sshra.s32 s19, $0x2;
	s19 =	sadd.s32 $0x200, s19  }
0x1b: {  	[tilespmem:s18+$0x5D70] =	vst v0  }
0x1c: {  	[tilespmem:s18+$0x5D00] =	vst v0  }
0x1d: {  	[tilespmem:s18+$0x5D10] =	vst v0  }
0x1e: {  	[tilespmem:s18+$0x5D20] =	vst v0  }
0x1f: {  	[tilespmem:s18+$0x5D30] =	vst v0  }
0x20: {  	[tilespmem:s18+$0x5D40] =	vst v0  }
0x21: {  	[tilespmem:s18+$0x5D50] =	vst v0  }
0x22: {  	[tilespmem:s18+$0x5D60] =	vst v0;
	s31 =	sadd.s32 $0x0, s5  }
0x23: {  	[spmem:s31] =	stream.linear.scatter [tilespmem:s12], [sflag:$0x1], $0x1000, $0x38;
	[tilespmem:$0x1FD00] =	vst v63  }
0x24: {  	s18 =	simm.s32 $0x4000;
	_ =	swait.ge [sflag:s13], $0x1000  }
.LBB2_4:
0x25: {  	s19 =	sshra.s32 s18, $0x2;
	[sflag:s13] =	ssyncset.done $0x0;
	p0 =	sne.s32 s18, $0x60000  }
.Ltmp1:
0x26: {  	s19 =	sadd.s32 s19, s5;
	[sflag:s13] =	ssyncadd.s32 $0xFFFFF000;
	(pc) =	sbr.rel @p0 .LBB2_4-.Ltmp1, $3  }
0x27: {  	[spmem:s19] =	stream.linear.scatter [tilespmem:s12], [sflag:$0x1], $0x1000, $0x38;
	[tilespmem:$0x1FD00] =	vst v63  }
0x28: {  	s18 =	sadd.s32 $0x4000, s18;
	_ =	sdelay $0x1  }
0x29: {  	_ =	swait.ge [sflag:s13], $0x1000  }
0x2a: {  	[sflag:s13] =	ssyncset.done $0x0  }
0x2b: {  	[sflag:s13] =	ssyncadd.s32 $0xFFFFF000  }
0x2c: {  	s18 =	simm.s32 $0x0;
	s19 =	simm.s32 $0x0;
	[bflag:$0x0] =	sbarrier.arrive $0xFFFF  }
.LBB2_6:
0x2d: {  	s20 =	smul.u32 $0x380, s19;
	_ =	sdelay $0x1  }
0x2e: {  	s20 =	sadd.s32 s20, s6  }
0x2f: {  	[tilespmem:s18], [sflag:$0x1] =	stream.linear.gather [hbm4b:s20+s18], $0x1C00, $0x38;
	[tilespmem:$0x1FD00] =	vst v63  }
0x30: {  	_ =	swait.ge [sflag:s13], $0x1C00  }
0x31: {  	[sflag:s13] =	ssyncset.done $0x0  }
0x32: {  	s31 =	simm.s32 $0x0;
	[sflag:s13] =	ssyncadd.s32 $0xFFFFE400  }
0x33: {  	v1 =	vld [tilespmem:s31+$0x0];
	_ =	sdelay $0x4  }
0x34: {  	v2 =	vand.u32 $0xFFFF, v1  }
0x35: {  	v1 =	vshrl.u32 v1, $0x10;
	[tilespmem:$0x1C00] =	vst v2  }
0x36: {  	[tilespmem:$0x1C80] =	vst v1  }
0x37: {  	v1 =	vld [tilespmem:s31+$0x10];
	_ =	sdelay $0x4  }
0x38: {  	v2 =	vand.u32 $0xFFFF, v1  }
0x39: {  	v1 =	vshrl.u32 v1, $0x10;
	[tilespmem:$0x1C10] =	vst v2  }
0x3a: {  	[tilespmem:$0x1C90] =	vst v1  }
0x3b: {  	v1 =	vld [tilespmem:s31+$0x20];
	_ =	sdelay $0x4  }
0x3c: {  	v2 =	vand.u32 $0xFFFF, v1  }
0x3d: {  	v1 =	vshrl.u32 v1, $0x10;
	[tilespmem:$0x1C20] =	vst v2  }
0x3e: {  	[tilespmem:$0x1CA0] =	vst v1  }
0x3f: {  	v1 =	vld [tilespmem:s31+$0x30];
	_ =	sdelay $0x4  }
0x40: {  	v2 =	vand.u32 $0xFFFF, v1  }
0x41: {  	v1 =	vshrl.u32 v1, $0x10;
	[tilespmem:$0x1C30] =	vst v2  }
0x42: {  	[tilespmem:$0x1CB0] =	vst v1  }
0x43: {  	v1 =	vld [tilespmem:s31+$0x40];
	_ =	sdelay $0x4  }
0x44: {  	v2 =	vand.u32 $0xFFFF, v1  }
0x45: {  	v1 =	vshrl.u32 v1, $0x10;
	[tilespmem:$0x1C40] =	vst v2  }
0x46: {  	[tilespmem:$0x1CC0] =	vst v1  }
0x47: {  	v1 =	vld [tilespmem:s31+$0x50];
	_ =	sdelay $0x4  }
0x48: {  	v2 =	vand.u32 $0xFFFF, v1  }
0x49: {  	v1 =	vshrl.u32 v1, $0x10;
	[tilespmem:$0x1C50] =	vst v2  }
0x4a: {  	[tilespmem:$0x1CD0] =	vst v1  }
0x4b: {  	v1 =	vld [tilespmem:s31+$0x60];
	_ =	sdelay $0x4  }
0x4c: {  	v2 =	vand.u32 $0xFFFF, v1  }
0x4d: {  	v1 =	vshrl.u32 v1, $0x10;
	[tilespmem:$0x1C60] =	vst v2  }
0x4e: {  	[tilespmem:$0x1CE0] =	vst v1  }
0x4f: {  	v1 =	vld [tilespmem:s31+$0x70];
	_ =	sdelay $0x4  }
0x50: {  	v2 =	vand.u32 $0xFFFF, v1  }
0x51: {  	s20 =	simm.s32 $0x200;
	v1 =	vshrl.u32 v1, $0x10;
	[tilespmem:$0x1C70] =	vst v2  }
.LBB2_7:
0x52: {  	p0 =	sne.s32 s20, $0x6E00;
	[tilespmem:$0x1CF0] =	vst v1;
	s21 =	smov.u32 s20;
	s20 =	sadd.s32 $0x200, s20  }
0x53: {  	[tilespmem:s16], [sflag:$0x1] =	stream.indirect.gather [hbm4b:s4+s14], $0x80, s15, s14, $0xb8;
	[tilespmem:$0x1FD00] =	vst v63  }
0x54: {  	_ =	swait.ge [sflag:s13], $0x4000  }
0x55: {  	[sflag:s13] =	ssyncset.done $0x0  }
0x56: {  	[sflag:s13] =	ssyncadd.s32 $0xFFFFC000  }
0x57: {  	[spmem:s2] =	stream.indirect.scatter.add.f32 [tilespmem:s16], [sflag:$0x1], $0x80, s17, s14, $0xb8;
	[tilespmem:$0x1FD00] =	vst v63  }
0x58: {  	_ =	swait.ge [sflag:s13], $0x4000  }
0x59: {  	[sflag:s13] =	ssyncset.done $0x0  }
0x5a: {  	s21 =	sshra.s32 s21, $0x2;
	[sflag:s13] =	ssyncadd.s32 $0xFFFFC000  }
0x5b: {  	v1 =	vld [tilespmem:s21+$0x0];
	_ =	sdelay $0x4  }
0x5c: {  	v2 =	vand.u32 $0xFFFF, v1;
	v1 =	vshrl.u32 v1, $0x10  }
0x5d: {  	[tilespmem:$0x1C00] =	vst v2  }
0x5e: {  	[tilespmem:$0x1C80] =	vst v1  }
0x5f: {  	v1 =	vld [tilespmem:s21+$0x10];
	_ =	sdelay $0x4  }
0x60: {  	v2 =	vand.u32 $0xFFFF, v1;
	v1 =	vshrl.u32 v1, $0x10  }
0x61: {  	[tilespmem:$0x1C10] =	vst v2  }
0x62: {  	[tilespmem:$0x1C90] =	vst v1  }
0x63: {  	v1 =	vld [tilespmem:s21+$0x20];
	_ =	sdelay $0x4  }
0x64: {  	v2 =	vand.u32 $0xFFFF, v1;
	v1 =	vshrl.u32 v1, $0x10  }
0x65: {  	[tilespmem:$0x1C20] =	vst v2  }
0x66: {  	[tilespmem:$0x1CA0] =	vst v1  }
0x67: {  	v1 =	vld [tilespmem:s21+$0x30];
	_ =	sdelay $0x4  }
0x68: {  	v2 =	vand.u32 $0xFFFF, v1;
	v1 =	vshrl.u32 v1, $0x10  }
0x69: {  	[tilespmem:$0x1C30] =	vst v2  }
0x6a: {  	[tilespmem:$0x1CB0] =	vst v1  }
0x6b: {  	v1 =	vld [tilespmem:s21+$0x40];
	_ =	sdelay $0x4  }
0x6c: {  	v2 =	vand.u32 $0xFFFF, v1;
	v1 =	vshrl.u32 v1, $0x10  }
0x6d: {  	[tilespmem:$0x1C40] =	vst v2  }
0x6e: {  	[tilespmem:$0x1CC0] =	vst v1  }
0x6f: {  	v1 =	vld [tilespmem:s21+$0x50];
	_ =	sdelay $0x4  }
0x70: {  	v2 =	vand.u32 $0xFFFF, v1;
	v1 =	vshrl.u32 v1, $0x10  }
0x71: {  	[tilespmem:$0x1C50] =	vst v2  }
0x72: {  	[tilespmem:$0x1CD0] =	vst v1  }
0x73: {  	v1 =	vld [tilespmem:s21+$0x60];
	_ =	sdelay $0x4  }
0x74: {  	v2 =	vand.u32 $0xFFFF, v1;
	v1 =	vshrl.u32 v1, $0x10  }
0x75: {  	[tilespmem:$0x1C60] =	vst v2  }
0x76: {  	[tilespmem:$0x1CE0] =	vst v1  }
0x77: {  	v1 =	vld [tilespmem:s21+$0x70];
	_ =	sdelay $0x1  }
.Ltmp2:
0x78: {  	(pc) =	sbr.rel @p0 .LBB2_7-.Ltmp2, $3  }
0x79: {  	_ =	sdelay $0x1  }
0x7a: {  	v2 =	vand.u32 $0xFFFF, v1;
	v1 =	vshrl.u32 v1, $0x10  }
0x7b: {  	[tilespmem:$0x1C70] =	vst v2  }
0x7c: {  	[tilespmem:$0x1CF0] =	vst v1  }
0x7d: {  	[tilespmem:s16], [sflag:$0x1] =	stream.indirect.gather [hbm4b:s4+s14], $0x80, s15, s14, $0xb8;
	[tilespmem:$0x1FD00] =	vst v63  }
0x7e: {  	s19 =	sadd.s32 $0x1, s19;
	_ =	swait.ge [sflag:s13], $0x4000  }
0x7f: {  	p0 =	sne.s32 s19, $0x7;
	[sflag:s13] =	ssyncset.done $0x0  }
.Ltmp3:
0x80: {  	[sflag:s13] =	ssyncadd.s32 $0xFFFFC000;
	(pc) =	sbr.rel @p0 .LBB2_6-.Ltmp3, $4  }
0x81: {  	[spmem:s2] =	stream.indirect.scatter.add.f32 [tilespmem:s16], [sflag:$0x1], $0x80, s17, s14, $0xb8;
	[tilespmem:$0x1FD00] =	vst v63  }
0x82: {  	_ =	swait.ge [sflag:s13], $0x4000  }
0x83: {  	[sflag:s13] =	ssyncset.done $0x0  }
0x84: {  	[sflag:s13] =	ssyncadd.s32 $0xFFFFC000  }
0x85: {  	s18 =	sshll.u32 s1, $0x6  }
0x86: {  	[bflag:$0x0] =	sbarrier.arrive $0xFFFF;
	s19 =	sshrl.u32 s7, $0x3;
	s18 =	sor.u32 $0x1C01, s18  }
0x87: {  	[hbm:s8], [sflag:s18] =	dma.local [spmem:s19], $0x3100  }
0x88: {  	_ =	swait.ge [sflag:s13], $0x3100  }
0x89: {  	[sflag:s13] =	ssyncset.done $0x0  }
0x8a: {  	[sflag:s13] =	ssyncadd.s32 $0xFFFFCF00  }
0x8b: {  	s20 =	sadd.s32 $0x0, s5;
	[bflag:$0x0] =	sbarrier.arrive $0xFFFF  }
0x8c: {  	[spmem:s20] =	stream.linear.scatter [tilespmem:s12], [sflag:$0x1], $0x1000, $0x38;
	[tilespmem:$0x1FD00] =	vst v63  }
0x8d: {  	s20 =	simm.s32 $0x4000;
	_ =	swait.ge [sflag:s13], $0x1000  }
.LBB2_10:
0x8e: {  	s21 =	sshra.s32 s20, $0x2;
	[sflag:s13] =	ssyncset.done $0x0;
	p0 =	sne.s32 s20, $0x60000  }
.Ltmp4:
0x8f: {  	s21 =	sadd.s32 s21, s5;
	[sflag:s13] =	ssyncadd.s32 $0xFFFFF000;
	(pc) =	sbr.rel @p0 .LBB2_10-.Ltmp4, $3  }
0x90: {  	[spmem:s21] =	stream.linear.scatter [tilespmem:s12], [sflag:$0x1], $0x1000, $0x38;
	[tilespmem:$0x1FD00] =	vst v63  }
0x91: {  	s20 =	sadd.s32 $0x4000, s20;
	_ =	sdelay $0x1  }
0x92: {  	_ =	swait.ge [sflag:s13], $0x1000  }
0x93: {  	[sflag:s13] =	ssyncset.done $0x0  }
0x94: {  	[sflag:s13] =	ssyncadd.s32 $0xFFFFF000  }
0x95: {  	s20 =	simm.s32 $0x0;
	s21 =	simm.s32 $0x0;
	[bflag:$0x0] =	sbarrier.arrive $0xFFFF  }
.LBB2_12:
0x96: {  	s22 =	smul.u32 $0x380, s21;
	_ =	sdelay $0x1  }
0x97: {  	s22 =	sadd.s32 s22, s9  }
0x98: {  	[tilespmem:s20], [sflag:$0x1] =	stream.linear.gather [hbm4b:s22+s20], $0x1C00, $0x38;
	[tilespmem:$0x1FD00] =	vst v63  }
0x99: {  	_ =	swait.ge [sflag:s13], $0x1C00  }
0x9a: {  	[sflag:s13] =	ssyncset.done $0x0  }
0x9b: {  	s31 =	simm.s32 $0x0;
	[sflag:s13] =	ssyncadd.s32 $0xFFFFE400  }
0x9c: {  	v1 =	vld [tilespmem:s31+$0x0];
	_ =	sdelay $0x4  }
0x9d: {  	v2 =	vand.u32 $0xFFFF, v1  }
0x9e: {  	v1 =	vshrl.u32 v1, $0x10;
	[tilespmem:$0x1C00] =	vst v2  }
0x9f: {  	[tilespmem:$0x1C80] =	vst v1  }
0xa0: {  	v1 =	vld [tilespmem:s31+$0x10];
	_ =	sdelay $0x4  }
0xa1: {  	v2 =	vand.u32 $0xFFFF, v1  }
0xa2: {  	v1 =	vshrl.u32 v1, $0x10;
	[tilespmem:$0x1C10] =	vst v2  }
0xa3: {  	[tilespmem:$0x1C90] =	vst v1  }
0xa4: {  	v1 =	vld [tilespmem:s31+$0x20];
	_ =	sdelay $0x4  }
0xa5: {  	v2 =	vand.u32 $0xFFFF, v1  }
0xa6: {  	v1 =	vshrl.u32 v1, $0x10;
	[tilespmem:$0x1C20] =	vst v2  }
0xa7: {  	[tilespmem:$0x1CA0] =	vst v1  }
0xa8: {  	v1 =	vld [tilespmem:s31+$0x30];
	_ =	sdelay $0x4  }
0xa9: {  	v2 =	vand.u32 $0xFFFF, v1  }
0xaa: {  	v1 =	vshrl.u32 v1, $0x10;
	[tilespmem:$0x1C30] =	vst v2  }
0xab: {  	[tilespmem:$0x1CB0] =	vst v1  }
0xac: {  	v1 =	vld [tilespmem:s31+$0x40];
	_ =	sdelay $0x4  }
0xad: {  	v2 =	vand.u32 $0xFFFF, v1  }
0xae: {  	v1 =	vshrl.u32 v1, $0x10;
	[tilespmem:$0x1C40] =	vst v2  }
0xaf: {  	[tilespmem:$0x1CC0] =	vst v1  }
0xb0: {  	v1 =	vld [tilespmem:s31+$0x50];
	_ =	sdelay $0x4  }
0xb1: {  	v2 =	vand.u32 $0xFFFF, v1  }
0xb2: {  	v1 =	vshrl.u32 v1, $0x10;
	[tilespmem:$0x1C50] =	vst v2  }
0xb3: {  	[tilespmem:$0x1CD0] =	vst v1  }
0xb4: {  	v1 =	vld [tilespmem:s31+$0x60];
	_ =	sdelay $0x4  }
0xb5: {  	v2 =	vand.u32 $0xFFFF, v1  }
0xb6: {  	v1 =	vshrl.u32 v1, $0x10;
	[tilespmem:$0x1C60] =	vst v2  }
0xb7: {  	[tilespmem:$0x1CE0] =	vst v1  }
0xb8: {  	v1 =	vld [tilespmem:s31+$0x70];
	_ =	sdelay $0x4  }
0xb9: {  	v2 =	vand.u32 $0xFFFF, v1  }
0xba: {  	s22 =	simm.s32 $0x200;
	v1 =	vshrl.u32 v1, $0x10;
	[tilespmem:$0x1C70] =	vst v2  }
.LBB2_13:
0xbb: {  	p0 =	sne.s32 s22, $0x6E00;
	[tilespmem:$0x1CF0] =	vst v1;
	s23 =	smov.u32 s22;
	s22 =	sadd.s32 $0x200, s22  }
0xbc: {  	[tilespmem:s16], [sflag:$0x1] =	stream.indirect.gather [hbm4b:s4+s14], $0x80, s15, s14, $0xb8;
	[tilespmem:$0x1FD00] =	vst v63  }
0xbd: {  	_ =	swait.ge [sflag:s13], $0x4000  }
0xbe: {  	[sflag:s13] =	ssyncset.done $0x0  }
0xbf: {  	[sflag:s13] =	ssyncadd.s32 $0xFFFFC000  }
0xc0: {  	[spmem:s2] =	stream.indirect.scatter.add.f32 [tilespmem:s16], [sflag:$0x1], $0x80, s17, s14, $0xb8;
	[tilespmem:$0x1FD00] =	vst v63  }
0xc1: {  	_ =	swait.ge [sflag:s13], $0x4000  }
0xc2: {  	[sflag:s13] =	ssyncset.done $0x0  }
0xc3: {  	s23 =	sshra.s32 s23, $0x2;
	[sflag:s13] =	ssyncadd.s32 $0xFFFFC000  }
0xc4: {  	v1 =	vld [tilespmem:s23+$0x0];
	_ =	sdelay $0x4  }
0xc5: {  	v2 =	vand.u32 $0xFFFF, v1;
	v1 =	vshrl.u32 v1, $0x10  }
0xc6: {  	[tilespmem:$0x1C00] =	vst v2  }
0xc7: {  	[tilespmem:$0x1C80] =	vst v1  }
0xc8: {  	v1 =	vld [tilespmem:s23+$0x10];
	_ =	sdelay $0x4  }
0xc9: {  	v2 =	vand.u32 $0xFFFF, v1;
	v1 =	vshrl.u32 v1, $0x10  }
0xca: {  	[tilespmem:$0x1C10] =	vst v2  }
0xcb: {  	[tilespmem:$0x1C90] =	vst v1  }
0xcc: {  	v1 =	vld [tilespmem:s23+$0x20];
	_ =	sdelay $0x4  }
0xcd: {  	v2 =	vand.u32 $0xFFFF, v1;
	v1 =	vshrl.u32 v1, $0x10  }
0xce: {  	[tilespmem:$0x1C20] =	vst v2  }
0xcf: {  	[tilespmem:$0x1CA0] =	vst v1  }
0xd0: {  	v1 =	vld [tilespmem:s23+$0x30];
	_ =	sdelay $0x4  }
0xd1: {  	v2 =	vand.u32 $0xFFFF, v1;
	v1 =	vshrl.u32 v1, $0x10  }
0xd2: {  	[tilespmem:$0x1C30] =	vst v2  }
0xd3: {  	[tilespmem:$0x1CB0] =	vst v1  }
0xd4: {  	v1 =	vld [tilespmem:s23+$0x40];
	_ =	sdelay $0x4  }
0xd5: {  	v2 =	vand.u32 $0xFFFF, v1;
	v1 =	vshrl.u32 v1, $0x10  }
0xd6: {  	[tilespmem:$0x1C40] =	vst v2  }
0xd7: {  	[tilespmem:$0x1CC0] =	vst v1  }
0xd8: {  	v1 =	vld [tilespmem:s23+$0x50];
	_ =	sdelay $0x4  }
0xd9: {  	v2 =	vand.u32 $0xFFFF, v1;
	v1 =	vshrl.u32 v1, $0x10  }
0xda: {  	[tilespmem:$0x1C50] =	vst v2  }
0xdb: {  	[tilespmem:$0x1CD0] =	vst v1  }
0xdc: {  	v1 =	vld [tilespmem:s23+$0x60];
	_ =	sdelay $0x4  }
0xdd: {  	v2 =	vand.u32 $0xFFFF, v1;
	v1 =	vshrl.u32 v1, $0x10  }
0xde: {  	[tilespmem:$0x1C60] =	vst v2  }
0xdf: {  	[tilespmem:$0x1CE0] =	vst v1  }
0xe0: {  	v1 =	vld [tilespmem:s23+$0x70];
	_ =	sdelay $0x1  }
.Ltmp5:
0xe1: {  	(pc) =	sbr.rel @p0 .LBB2_13-.Ltmp5, $3  }
0xe2: {  	_ =	sdelay $0x1  }
0xe3: {  	v2 =	vand.u32 $0xFFFF, v1;
	v1 =	vshrl.u32 v1, $0x10  }
0xe4: {  	[tilespmem:$0x1C70] =	vst v2  }
0xe5: {  	[tilespmem:$0x1CF0] =	vst v1  }
0xe6: {  	[tilespmem:s16], [sflag:$0x1] =	stream.indirect.gather [hbm4b:s4+s14], $0x80, s15, s14, $0xb8;
	[tilespmem:$0x1FD00] =	vst v63  }
0xe7: {  	s21 =	sadd.s32 $0x1, s21;
	_ =	swait.ge [sflag:s13], $0x4000  }
0xe8: {  	p0 =	sne.s32 s21, $0x7;
	[sflag:s13] =	ssyncset.done $0x0  }
.Ltmp6:
0xe9: {  	[sflag:s13] =	ssyncadd.s32 $0xFFFFC000;
	(pc) =	sbr.rel @p0 .LBB2_12-.Ltmp6, $4  }
0xea: {  	[spmem:s2] =	stream.indirect.scatter.add.f32 [tilespmem:s16], [sflag:$0x1], $0x80, s17, s14, $0xb8;
	[tilespmem:$0x1FD00] =	vst v63  }
0xeb: {  	_ =	swait.ge [sflag:s13], $0x4000  }
0xec: {  	[sflag:s13] =	ssyncset.done $0x0  }
0xed: {  	[sflag:s13] =	ssyncadd.s32 $0xFFFFC000  }
0xee: {  	[bflag:$0x0] =	sbarrier.arrive $0xFFFF;
	s3 =	sadd.s32 $0x1, s3  }
0xef: {  	[hbm:s10], [sflag:s18] =	dma.local [spmem:s19], $0x3100  }
0xf0: {  	p0 =	sne.s32 s3, s11  }
.Ltmp7:
0xf1: {  	_ =	swait.ge [sflag:s13], $0x3100;
	(pc) =	sbr.rel @p0 .LBB2_1-.Ltmp7, $3  }
0xf2: {  	[sflag:s13] =	ssyncset.done $0x0  }
0xf3: {  	[sflag:s13] =	ssyncadd.s32 $0xFFFFCF00  }
0xf4: {  	[bflag:$0x0] =	sbarrier.arrive $0xFFFF;
	_ =	sdelay $0x1  }
0xf5: {  	_ =	sfence.sel $0x180000  }
0xf6: {  	[bflag:$0x0] =	sbarrier.arrive $0xFFFF  }
0xf7: {  	p0 =	sne.s32 s1, $0x0;
	_ =	strace $0x9000004A  }
0xf8: {  	s0 =	sadd.s32 @!p0 $0x100000, s0;
	[bflag:$0x2] =	sbarrier.arrive $0xFFFF  }
0xf9: {  	[sflag:s0] =	ssyncadd.tile.s32 @!p0 $0x1;
	_ =	shalt  }
.Lfunc_end2:
_tile_overlayer_lowered:
.L_overlay_start_2:
0xfa: {  	(tag) =	ssettag $0x2  }
0xfb: {  	s0 =	rddreg [dreg:$0x0];
	s2 =	stileid.u32  }
0xfc: {  	s1 =	rddreg [dreg:$0x1];
	p0 =	sne.s32 s2, $0x0  }
0xfd: {  	s3 =	rddreg [dreg:$0x2];
	[bflag:$0x3] =	sbarrier.arrive $0xFFFF;
	s2 =	simm.s32 @!p0 $0x1C01  }
0xfe: {  	[timem:s3], [sflag:s2] =	dma.local @!p0 [hbm:s0], s1  }
0xff: {  	s0 =	simm.s32 @!p0 $0x1  }
0x100: {  	_ =	swait.ge @!p0 [sflag:s0], s1  }
0x101: {  	s1 =	ssub.s32 @!p0 $0x0, s1;
	[sflag:s0] =	ssyncset.done @!p0 $0x0  }
0x102: {  	[sflag:s0] =	ssyncadd.s32 @!p0 s1  }
0x103: {  	[bflag:$0x3] =	sbarrier.arrive $0xFFFF  }
0x104: {  	_ =	shalt  }

// kernel: kernel.7.cloned.1.call-start
scs
__scs_entry_jumppad:
0x0: {  	(pc) =	sbr.rel $0x88, $3  }
0x1: {  	(tag) =	ssettag $0x0;
	lr =	simm.s32 $0x1  }
0x2: {  	[smem:$0x3F95] =	sst lr;
	_ =	strace $0xD0000000  }
0x3: {  	_ = 	snop  }
0x4: {  	_ = 	snop  }
0x5: {  	_ = 	snop  }
0x6: {  	_ = 	snop  }
0x7: {  	_ = 	snop  }
__scs_overlays_trampoline_lowered:
0x8: {  	[smem:$0x3FA4] =	sst s0  }
0x9: {  	[smem:$0x3FA5] =	sst s1  }
0xa: {  	[smem:$0x3FA6] =	sst s2  }
0xb: {  	[smem:$0x3FA7] =	sst s3  }
0xc: {  	[smem:$0x3FA8] =	sst s4  }
0xd: {  	[smem:$0x3FA9] =	sst s5  }
0xe: {  	[smem:$0x3FAA] =	sst s6  }
0xf: {  	[smem:$0x3FAB] =	sst s7  }
0x10: {  	[smem:$0x3FAC] =	sst s8  }
0x11: {  	[smem:$0x3FAD] =	sst s9;
	s0 =	simm.s32 @!p0 $0x0  }
0x12: {  	s1 =	sld [smem:$0x3F93];
	s0 =	simm.s32 @p0 $0x1  }
0x13: {  	[smem:$0x3FAE] =	sst s0;
	s0 =	simm.s32 @!p1 $0x0  }
0x14: {  	s2 =	sld [smem:$0x3F92];
	s0 =	simm.s32 @p1 $0x1  }
0x15: {  	[smem:$0x3FAF] =	sst s0;
	s0 =	simm.s32 @!p2 $0x0  }
0x16: {  	s3 =	sld [smem:$0x3FDB];
	s0 =	simm.s32 @p2 $0x1  }
0x17: {  	s4 =	simm.s32 $0x1BF5;
	[smem:$0x3FB1] =	sst s0  }
0x18: {  	s0 =	sld [smem:$0x3F94];
	_ =	swait.ge [sflag:s4], $0x0  }
0x19: {  	s7 =	sld [smem:$0x3F95]  }
0x1a: {  	s8 =	sadd.s32 $0xFFFFE003, lr  }
0x1b: {  	s9 =	sadd.s32 $0xFFFFFEF7, lr;
	s5 =	simm.s32 $0xFFFFFFFF;
	p2 =	slt.u32 s8, $0xFFFFF086  }
0x1c: {  	p1 =	slt.u32 s9, $0xF7A;
	s5 =	simm.s32 @!p2 $0x0  }
0x1d: {  	s5 =	simm.s32 @p1 $0x1;
	p0 =	seq.s32 s7, s2  }
0x1e: {  	s7 =	smul.u32 @!p0 $0xF7A, s2;
	p2 =	seq.s32 @!p0 s5, $0x0  }
0x1f: {  	s9 =	smul.u32 $0xF7A, s1;
	s8 =	simm.s32 @!p0 $0x1BF5;
	p2 =	por !p2, p0  }
0x20: {  	[sflag:s8] =	ssyncset.s32 @!p0 $0xFFFFF086;
	s6 =	sadd.s32 @!p0 s3, s7;
	s7 =	simm.s32 @!p0 $0x108  }
0x21: {  	s3 =	sadd.s32 s3, s9;
	s6 =	sadd.s32 @!p0 $0x88, s6;
	s7 =	simm.s32 @p2 $0x1082  }
0x22: {  	[simem:s7], [sflag:s8] =	dma.local @!p0 [hbm:s6], $0xF7A  }
0x23: {  	s9 =	sor.u32 $0xD0000000, s2;
	s6 =	simm.s32 $0x108;
	_ =	swait.ge @!p0 [sflag:s8], $0x0  }
0x24: {  	s3 =	sadd.s32 $0x88, s3;
	s6 =	simm.s32 @!p1 $0x1082;
	[sflag:s4] =	ssyncset.s32 $0xFFFFF086  }
0x25: {  	[simem:s6], [sflag:s4] =	dma.local [hbm:s3], $0xF7A  }
0x26: {  	[smem:$0x3F95] =	sst s1;
	(tag) =	ssettag s2;
	_ =	strace s9  }
0x27: {  	s1 =	sld [smem:$0x3FA5]  }
0x28: {  	s2 =	sld [smem:$0x3FA6]  }
0x29: {  	s4 =	sld [smem:$0x3FA8]  }
0x2a: {  	p0 =	seq.s32 s5, $0x0;
	s5 =	sld [smem:$0x3FA9]  }
0x2b: {  	s6 =	sld [smem:$0x3FAA]  }
0x2c: {  	s7 =	sld [smem:$0x3FAB]  }
0x2d: {  	s3 =	simm.s32 $0x108;
	s8 =	sld [smem:$0x3FAC]  }
0x2e: {  	s3 =	simm.s32 @!p0 $0x1082;
	s9 =	sld [smem:$0x3FAD]  }
0x2f: {  	lr =	sadd.s32 s0, s3;
	s0 =	sld [smem:$0x3FA4]  }
0x30: {  	s3 =	sld [smem:$0x3FA7]  }
0x31: {  	[smem:$0x3FB0] =	sst s10  }
0x32: {  	s10 =	sld [smem:$0x3FAE];
	_ =	sdelay $0x3  }
0x33: {  	p0 =	seq.s32 s10, $0x1;
	s10 =	sld [smem:$0x3FB0];
	_ =	sdelay $0x3  }
0x34: {  	[smem:$0x3FB0] =	sst s10  }
0x35: {  	s10 =	sld [smem:$0x3FAF];
	_ =	sdelay $0x3  }
0x36: {  	p1 =	seq.s32 s10, $0x1;
	s10 =	sld [smem:$0x3FB0];
	_ =	sdelay $0x3  }
0x37: {  	[smem:$0x3FB0] =	sst s10  }
0x38: {  	s10 =	sld [smem:$0x3FB1]  }
0x39: {  	_ = 	snop;
	(pc) =	sbr.ind lr, $3  }
0x3a: {  	_ = 	snop  }
0x3b: {  	_ = 	snop  }
0x3c: {  	p2 =	seq.s32 s10, $0x1;
	s10 =	sld [smem:$0x3FB0]  }
0x3d: {  	_ =	shalt  }
0x3e: {  	_ =	shalt  }
0x3f: {  	_ =	shalt  }
0x40: {  	_ =	shalt  }
0x41: {  	_ =	shalt  }
0x42: {  	_ =	shalt  }
0x43: {  	_ =	shalt  }
0x44: {  	_ =	shalt  }
0x45: {  	_ =	shalt  }
0x46: {  	_ =	shalt  }
0x47: {  	_ =	shalt  }
0x48: {  	_ =	shalt  }
0x49: {  	_ =	shalt  }
0x4a: {  	_ =	shalt  }
0x4b: {  	_ =	shalt  }
0x4c: {  	_ =	shalt  }
0x4d: {  	_ =	shalt  }
0x4e: {  	_ =	shalt  }
0x4f: {  	_ =	shalt  }
0x50: {  	_ =	shalt  }
0x51: {  	_ =	shalt  }
0x52: {  	_ =	shalt  }
0x53: {  	_ =	shalt  }
0x54: {  	_ =	shalt  }
0x55: {  	_ =	shalt  }
0x56: {  	_ =	shalt  }
0x57: {  	_ =	shalt  }
0x58: {  	_ =	shalt  }
0x59: {  	_ =	shalt  }
0x5a: {  	_ =	shalt  }
0x5b: {  	_ =	shalt  }
0x5c: {  	_ =	shalt  }
0x5d: {  	_ =	shalt  }
0x5e: {  	_ =	shalt  }
0x5f: {  	_ =	shalt  }
0x60: {  	_ =	shalt  }
0x61: {  	_ =	shalt  }
0x62: {  	_ =	shalt  }
0x63: {  	_ =	shalt  }
0x64: {  	_ =	shalt  }
0x65: {  	_ =	shalt  }
0x66: {  	_ =	shalt  }
0x67: {  	_ =	shalt  }
0x68: {  	_ =	shalt  }
0x69: {  	_ =	shalt  }
0x6a: {  	_ =	shalt  }
0x6b: {  	_ =	shalt  }
0x6c: {  	_ =	shalt  }
0x6d: {  	_ =	shalt  }
0x6e: {  	_ =	shalt  }
0x6f: {  	_ =	shalt  }
0x70: {  	_ =	shalt  }
0x71: {  	_ =	shalt  }
0x72: {  	_ =	shalt  }
0x73: {  	_ =	shalt  }
0x74: {  	_ =	shalt  }
0x75: {  	_ =	shalt  }
0x76: {  	_ =	shalt  }
0x77: {  	_ =	shalt  }
0x78: {  	_ =	shalt  }
0x79: {  	_ =	shalt  }
0x7a: {  	_ =	shalt  }
0x7b: {  	_ =	shalt  }
0x7c: {  	_ =	shalt  }
0x7d: {  	_ =	shalt  }
0x7e: {  	_ =	shalt  }
0x7f: {  	_ =	shalt  }
0x80: {  	_ =	shalt  }
0x81: {  	_ =	shalt  }
0x82: {  	_ =	shalt  }
0x83: {  	_ =	shalt  }
0x84: {  	_ =	shalt  }
0x85: {  	_ =	shalt  }
0x86: {  	_ =	shalt  }
0x87: {  	_ =	shalt  }
.Lfunc_end0:
.L_simem_size_0:
called_computation_lowered:
.L_overlay_start_0:
0x88: {  	s2 =	sld [smem:$0x3FD9]  }
0x89: {  	s3 =	sld [smem:$0x3FFE];
	_ =	sdelay $0x1  }
0x8a: {  	s1 =	srdreg.scid  }
0x8b: {  	s0 =	sand.u32 $0x1, s1  }
0x8c: {  	s16 =	sshll.u32 s0, $0xA;
	s2 =	sadd.s32 s3, s2  }
0x8d: {  	s2 =	sadd.s32 s2, s16  }
0x8e: {  	[smem:$0x3FBC] =	sst s2  }
0x8f: {  	_ = 	snop  }
0x90: {  	(tm) =	ssettm $0x1  }
0x91: {  	s17 =	sld [smem:$0x3FFB];
	_ =	sdelay $0x3  }
0x92: {  	_ =	strace s17  }
0x93: {  	s2 =	sld [smem:$0x3FFC];
	_ =	sdelay $0x3  }
0x94: {  	_ =	strace s2  }
0x95: {  	s2 =	sld [smem:$0x3FFD];
	_ =	sdelay $0x3  }
0x96: {  	_ =	strace s2  }
0x97: {  	_ =	strace $0x8FFFFFFF  }
0x98: {  	s18 =	sld [smem:$0x3FDB];
	_ =	sdelay $0x1  }
0x99: {  	s19 =	simm.s32 $_scs_section_size  }
0x9a: {  	s4 =	simm.s32 $_size__tile_overlayer_lowered;
	s5 =	simm.s32 $_tile_overlayer_lowered  }
0x9b: {  	s22 =	simm.s32 $0x1BFF;
	s21 =	sshll.u32 s5, $0x1;
	s2 =	sadd.s32 s19, s18  }
0x9c: {  	s6 =	simm.s32 $0x0;
	s20 =	sshll.u32 s4, $0x1;
	s4 =	sadd.s32 s21, s2  }
0x9d: {  	[timem:s6], [sflag:s22] =	dma.local [hbm:s4], s20  }
0x9e: {  	_ =	swait.ge [sflag:s22], s20  }
0x9f: {  	s3 =	ssub.s32 $0x0, s20;
	[sflag:s22] =	ssyncset.done $0x0  }
0xa0: {  	[sflag:s22] =	ssyncadd.s32 s3;
	_ =	sdelay $0x1  }
0xa1: {  	s23 =	simm.s32 $0x1B8B  }
0xa2: {  	_ =	swait.ge [sflag:s23], $0x1  }
0xa3: {  	[sflag:s23] =	ssyncset.done $0x0  }
0xa4: {  	s25 =	simm.s32 $0x1B8E;
	s24 =	sld [smem:$0x3FFE];
	[sflag:s23] =	ssyncadd.s32 $0xFFFFFFFF  }
0xa5: {  	s26 =	simm.s32 $execute0_lowered;
	[smem:$0x3FD2] =	sst s25  }
0xa6: {  	s4 =	sshll.u32 s26, $0x1;
	_ =	strace $0x80000046;
	[dreg:$0x1] =	wrdreg $0xFFFFFFFF  }
0xa7: {  	s28 =	simm.s32 $_size_execute0_lowered;
	s2 =	sadd.s32 s2, s4;
	[dreg:$0x0] =	wrdreg $0x0  }
0xa8: {  	s4 =	sshll.u32 s28, $0x1;
	[dreg:$0x2] =	wrdreg s2  }
0xa9: {  	[dreg:$0x3] =	wrdreg s4  }
0xaa: {  	[dreg:$0x4] =	wrdreg $0xC0  }
0xab: {  	_ =	task [dreg:s6], $0x5FFFF  }
0xac: {  	[dreg:$0x1] =	wrdreg $0xFFFFFFFF  }
0xad: {  	[dreg:$0x0] =	wrdreg $0x60  }
0xae: {  	[dreg:$0x2] =	wrdreg s24  }
0xaf: {  	[dreg:$0x3] =	wrdreg $0x6D000  }
0xb0: {  	[dreg:$0x4] =	wrdreg $0x9  }
0xb1: {  	_ =	task.clear_ibuf [dreg:s6], $0x5FFFF;
	_ =	strace $0x90000046  }
0xb2: {  	s29 =	simm.s32 $0x9;
	_ =	strace $0x80000048  }
0xb3: {  	_ =	swait.ge [sflag:s29], $0x1  }
0xb4: {  	[sflag:s29] =	ssyncadd.s32 $0xFFFFFFFF  }
0xb5: {  	_ =	strace $0x90000048  }
0xb6: {  	_ =	sfence  }
0xb7: {  	s30 =	sld [smem:$0x0];
	_ =	sdelay $0x2  }
0xb8: {  	s31 =	sshll.u32 s1, $0xD;
	s1 =	sshrl.u32 s1, $0x2  }
0xb9: {  	s3 =	sand.u32 $0x4000, s31;
	s1 =	sadd.s32 s1, s30  }
0xba: {  	s0 =	sor.u32 s3, s0;
	s1 =	sshll.u32 s1, $0x11  }
0xbb: {  	s0 =	sor.u32 s1, s0  }
0xbc: {  	s0 =	sadd.s32 $0x8F2B, s0  }
0xbd: {  	[sflag:s0] =	ssyncadd.remote.s32 $0x1  }
0xbe: {  	_ =	sfence.sel $0xFFFF  }
0xbf: {  	[dreg:$0x0] =	wrdreg $0xFFFFFFFF;
	(pc) =	sbr.abs _section_cstart, $3  }
0xc0: {  	[dreg:$0x1] =	wrdreg $0xFFFFFFFF  }
0xc1: {  	_ =	task.clear_ibuf [dreg:s6], $0x2FFFF;
	_ =	strace $0x9FFFFFFF  }
0xc2: {  	(tm) =	ssettm $0x7FFFFFFF  }
0xc3: {  	_ =	shalt  }
tec
execute0_lowered:
.L_overlay_start_1:
0x0: {  	(tag) =	ssettag $0x1  }
0x1: {  	s5 =	rddreg [dreg:$0x0]  }
0x2: {  	s2 =	rddreg [dreg:$0x1];
	s1 =	stileid.u32  }
0x3: {  	s0 =	rddreg [dreg:$0x2];
	s7 =	smul.u32 $0x64000, s1  }
0x4: {  	s3 =	simm.s32 $0x0;
	s4 =	srdreg.scid;
	s10 =	smul.u32 $0xC400, s1  }
0x5: {  	s17 =	simm.s32 $0x1C80;
	[smem:$0x7FF] =	sst s3;
	s13 =	smul.u32 $0x310, s1  }
0x6: {  	s6 =	sand.u32 $0x1, s4;
	s4 =	sadd.s32 $0x127200, s5;
	s24 =	smul.u32 $0x62000, s1  }
0x7: {  	s11 =	sadd.s32 $0xC5200, s5;
	s14 =	sadd.s32 $0x2ADE00, s5;
	s8 =	smul.u32 $0xC4000, s6  }
0x8: {  	s9 =	ssub.s32 $0x2, s6;
	s15 =	smul.u32 $0x3100, s6;
	s6 =	sor.u32 $0x2, s6  }
0x9: {  	_ =	strace $0x80000047;
	s12 =	sshrl.u32 s9, $0x1;
	s28 =	smul.u32 $0xC4000, s6  }
0xa: {  	s25 =	sshrl.u32 s7, $0x2;
	s16 =	smul.u32 $0x3100, s6;
	s12 =	ssub.s32 s9, s12  }
0xb: {  	s5 =	sadd.s32 s25, s2;
	s26 =	sadd.s32 s10, s8;
	s9 =	sshrl.u32 s24, $0x2  }
0xc: {  	s29 =	sadd.s32 s13, s15;
	s15 =	simm.s32 $0x1C00;
	s7 =	sshrl.u32 s26, $0x3  }
0xd: {  	s10 =	sadd.s32 s10, s28;
	s13 =	sadd.s32 s13, s16;
	s16 =	simm.s32 $0x1D00  }
0xe: {  	s6 =	sadd.s32 s11, s7;
	s7 =	sadd.s32 s9, s2;
	s9 =	sshll.u32 s29, $0x4  }
0xf: {  	s30 =	sshrl.u32 s10, $0x3;
	s31 =	sshll.u32 s13, $0x4;
	s13 =	simm.s32 $0x1  }
0x10: {  	s8 =	sadd.s32 s14, s9;
	s9 =	sadd.s32 s11, s30;
	s10 =	sadd.s32 s14, s31  }
0x11: {  	v0 =	vimm.f32 $0.0e+00;
	s11 =	smax.u32 s12, $0x1;
	s12 =	simm.s32 $0x5D00;
	s14 =	simm.s32 $0x80  }
.LBB2_1:
0x12: {  	s18 =	simm.s32 $0x0;
	s19 =	simm.s32 $0x200  }
.LBB2_2:
0x13: {  	p0 =	sne.s32 s19, $0x3E00;
	[tilespmem:s18+$0x5D70] =	vst v0  }
0x14: {  	[tilespmem:s18+$0x5D00] =	vst v0  }
0x15: {  	[tilespmem:s18+$0x5D10] =	vst v0  }
.Ltmp0:
0x16: {  	[tilespmem:s18+$0x5D20] =	vst v0;
	(pc) =	sbr.rel @p0 .LBB2_2-.Ltmp0, $4  }
0x17: {  	[tilespmem:s18+$0x5D30] =	vst v0  }
0x18: {  	[tilespmem:s18+$0x5D40] =	vst v0  }
0x19: {  	[tilespmem:s18+$0x5D50] =	vst v0  }
0x1a: {  	[tilespmem:s18+$0x5D60] =	vst v0;
	s18 =	sshra.s32 s19, $0x2;
	s19 =	sadd.s32 $0x200, s19  }
0x1b: {  	[tilespmem:s18+$0x5D70] =	vst v0  }
0x1c: {  	[tilespmem:s18+$0x5D00] =	vst v0  }
0x1d: {  	[tilespmem:s18+$0x5D10] =	vst v0  }
0x1e: {  	[tilespmem:s18+$0x5D20] =	vst v0  }
0x1f: {  	[tilespmem:s18+$0x5D30] =	vst v0  }
0x20: {  	[tilespmem:s18+$0x5D40] =	vst v0  }
0x21: {  	[tilespmem:s18+$0x5D50] =	vst v0  }
0x22: {  	[tilespmem:s18+$0x5D60] =	vst v0;
	s31 =	sadd.s32 $0x0, s5  }
0x23: {  	[spmem:s31] =	stream.linear.scatter [tilespmem:s12], [sflag:$0x1], $0x1000, $0x38;
	[tilespmem:$0x1FD00] =	vst v63  }
0x24: {  	s18 =	simm.s32 $0x4000;
	_ =	swait.ge [sflag:s13], $0x1000  }
.LBB2_4:
0x25: {  	s19 =	sshra.s32 s18, $0x2;
	[sflag:s13] =	ssyncset.done $0x0;
	p0 =	sne.s32 s18, $0x60000  }
.Ltmp1:
0x26: {  	s19 =	sadd.s32 s19, s5;
	[sflag:s13] =	ssyncadd.s32 $0xFFFFF000;
	(pc) =	sbr.rel @p0 .LBB2_4-.Ltmp1, $3  }
0x27: {  	[spmem:s19] =	stream.linear.scatter [tilespmem:s12], [sflag:$0x1], $0x1000, $0x38;
	[tilespmem:$0x1FD00] =	vst v63  }
0x28: {  	s18 =	sadd.s32 $0x4000, s18;
	_ =	sdelay $0x1  }
0x29: {  	_ =	swait.ge [sflag:s13], $0x1000  }
0x2a: {  	[sflag:s13] =	ssyncset.done $0x0  }
0x2b: {  	[sflag:s13] =	ssyncadd.s32 $0xFFFFF000  }
0x2c: {  	s18 =	simm.s32 $0x0;
	s19 =	simm.s32 $0x0;
	[bflag:$0x0] =	sbarrier.arrive $0xFFFF  }
.LBB2_6:
0x2d: {  	s20 =	smul.u32 $0x380, s19;
	_ =	sdelay $0x1  }
0x2e: {  	s20 =	sadd.s32 s20, s6  }
0x2f: {  	[tilespmem:s18], [sflag:$0x1] =	stream.linear.gather [hbm4b:s20+s18], $0x1C00, $0x38;
	[tilespmem:$0x1FD00] =	vst v63  }
0x30: {  	_ =	swait.ge [sflag:s13], $0x1C00  }
0x31: {  	[sflag:s13] =	ssyncset.done $0x0  }
0x32: {  	s31 =	simm.s32 $0x0;
	[sflag:s13] =	ssyncadd.s32 $0xFFFFE400  }
0x33: {  	v1 =	vld [tilespmem:s31+$0x0];
	_ =	sdelay $0x4  }
0x34: {  	v2 =	vand.u32 $0xFFFF, v1  }
0x35: {  	v1 =	vshrl.u32 v1, $0x10;
	[tilespmem:$0x1C00] =	vst v2  }
0x36: {  	[tilespmem:$0x1C80] =	vst v1  }
0x37: {  	v1 =	vld [tilespmem:s31+$0x10];
	_ =	sdelay $0x4  }
0x38: {  	v2 =	vand.u32 $0xFFFF, v1  }
0x39: {  	v1 =	vshrl.u32 v1, $0x10;
	[tilespmem:$0x1C10] =	vst v2  }
0x3a: {  	[tilespmem:$0x1C90] =	vst v1  }
0x3b: {  	v1 =	vld [tilespmem:s31+$0x20];
	_ =	sdelay $0x4  }
0x3c: {  	v2 =	vand.u32 $0xFFFF, v1  }
0x3d: {  	v1 =	vshrl.u32 v1, $0x10;
	[tilespmem:$0x1C20] =	vst v2  }
0x3e: {  	[tilespmem:$0x1CA0] =	vst v1  }
0x3f: {  	v1 =	vld [tilespmem:s31+$0x30];
	_ =	sdelay $0x4  }
0x40: {  	v2 =	vand.u32 $0xFFFF, v1  }
0x41: {  	v1 =	vshrl.u32 v1, $0x10;
	[tilespmem:$0x1C30] =	vst v2  }
0x42: {  	[tilespmem:$0x1CB0] =	vst v1  }
0x43: {  	v1 =	vld [tilespmem:s31+$0x40];
	_ =	sdelay $0x4  }
0x44: {  	v2 =	vand.u32 $0xFFFF, v1  }
0x45: {  	v1 =	vshrl.u32 v1, $0x10;
	[tilespmem:$0x1C40] =	vst v2  }
0x46: {  	[tilespmem:$0x1CC0] =	vst v1  }
0x47: {  	v1 =	vld [tilespmem:s31+$0x50];
	_ =	sdelay $0x4  }
0x48: {  	v2 =	vand.u32 $0xFFFF, v1  }
0x49: {  	v1 =	vshrl.u32 v1, $0x10;
	[tilespmem:$0x1C50] =	vst v2  }
0x4a: {  	[tilespmem:$0x1CD0] =	vst v1  }
0x4b: {  	v1 =	vld [tilespmem:s31+$0x60];
	_ =	sdelay $0x4  }
0x4c: {  	v2 =	vand.u32 $0xFFFF, v1  }
0x4d: {  	v1 =	vshrl.u32 v1, $0x10;
	[tilespmem:$0x1C60] =	vst v2  }
0x4e: {  	[tilespmem:$0x1CE0] =	vst v1  }
0x4f: {  	v1 =	vld [tilespmem:s31+$0x70];
	_ =	sdelay $0x4  }
0x50: {  	v2 =	vand.u32 $0xFFFF, v1  }
0x51: {  	s20 =	simm.s32 $0x200;
	v1 =	vshrl.u32 v1, $0x10;
	[tilespmem:$0x1C70] =	vst v2  }
.LBB2_7:
0x52: {  	p0 =	sne.s32 s20, $0x6E00;
	[tilespmem:$0x1CF0] =	vst v1;
	s21 =	smov.u32 s20;
	s20 =	sadd.s32 $0x200, s20  }
0x53: {  	[tilespmem:s16], [sflag:$0x1] =	stream.indirect.gather [hbm4b:s4+s14], $0x80, s15, s14, $0xb8;
	[tilespmem:$0x1FD00] =	vst v63  }
0x54: {  	_ =	swait.ge [sflag:s13], $0x4000  }
0x55: {  	[sflag:s13] =	ssyncset.done $0x0  }
0x56: {  	[sflag:s13] =	ssyncadd.s32 $0xFFFFC000  }
0x57: {  	[spmem:s2] =	stream.indirect.scatter.add.f32 [tilespmem:s16], [sflag:$0x1], $0x80, s17, s14, $0xb8;
	[tilespmem:$0x1FD00] =	vst v63  }
0x58: {  	_ =	swait.ge [sflag:s13], $0x4000  }
0x59: {  	[sflag:s13] =	ssyncset.done $0x0  }
0x5a: {  	s21 =	sshra.s32 s21, $0x2;
	[sflag:s13] =	ssyncadd.s32 $0xFFFFC000  }
0x5b: {  	v1 =	vld [tilespmem:s21+$0x0];
	_ =	sdelay $0x4  }
0x5c: {  	v2 =	vand.u32 $0xFFFF, v1;
	v1 =	vshrl.u32 v1, $0x10  }
0x5d: {  	[tilespmem:$0x1C00] =	vst v2  }
0x5e: {  	[tilespmem:$0x1C80] =	vst v1  }
0x5f: {  	v1 =	vld [tilespmem:s21+$0x10];
	_ =	sdelay $0x4  }
0x60: {  	v2 =	vand.u32 $0xFFFF, v1;
	v1 =	vshrl.u32 v1, $0x10  }
0x61: {  	[tilespmem:$0x1C10] =	vst v2  }
0x62: {  	[tilespmem:$0x1C90] =	vst v1  }
0x63: {  	v1 =	vld [tilespmem:s21+$0x20];
	_ =	sdelay $0x4  }
0x64: {  	v2 =	vand.u32 $0xFFFF, v1;
	v1 =	vshrl.u32 v1, $0x10  }
0x65: {  	[tilespmem:$0x1C20] =	vst v2  }
0x66: {  	[tilespmem:$0x1CA0] =	vst v1  }
0x67: {  	v1 =	vld [tilespmem:s21+$0x30];
	_ =	sdelay $0x4  }
0x68: {  	v2 =	vand.u32 $0xFFFF, v1;
	v1 =	vshrl.u32 v1, $0x10  }
0x69: {  	[tilespmem:$0x1C30] =	vst v2  }
0x6a: {  	[tilespmem:$0x1CB0] =	vst v1  }
0x6b: {  	v1 =	vld [tilespmem:s21+$0x40];
	_ =	sdelay $0x4  }
0x6c: {  	v2 =	vand.u32 $0xFFFF, v1;
	v1 =	vshrl.u32 v1, $0x10  }
0x6d: {  	[tilespmem:$0x1C40] =	vst v2  }
0x6e: {  	[tilespmem:$0x1CC0] =	vst v1  }
0x6f: {  	v1 =	vld [tilespmem:s21+$0x50];
	_ =	sdelay $0x4  }
0x70: {  	v2 =	vand.u32 $0xFFFF, v1;
	v1 =	vshrl.u32 v1, $0x10  }
0x71: {  	[tilespmem:$0x1C50] =	vst v2  }
0x72: {  	[tilespmem:$0x1CD0] =	vst v1  }
0x73: {  	v1 =	vld [tilespmem:s21+$0x60];
	_ =	sdelay $0x4  }
0x74: {  	v2 =	vand.u32 $0xFFFF, v1;
	v1 =	vshrl.u32 v1, $0x10  }
0x75: {  	[tilespmem:$0x1C60] =	vst v2  }
0x76: {  	[tilespmem:$0x1CE0] =	vst v1  }
0x77: {  	v1 =	vld [tilespmem:s21+$0x70];
	_ =	sdelay $0x1  }
.Ltmp2:
0x78: {  	(pc) =	sbr.rel @p0 .LBB2_7-.Ltmp2, $3  }
0x79: {  	_ =	sdelay $0x1  }
0x7a: {  	v2 =	vand.u32 $0xFFFF, v1;
	v1 =	vshrl.u32 v1, $0x10  }
0x7b: {  	[tilespmem:$0x1C70] =	vst v2  }
0x7c: {  	[tilespmem:$0x1CF0] =	vst v1  }
0x7d: {  	[tilespmem:s16], [sflag:$0x1] =	stream.indirect.gather [hbm4b:s4+s14], $0x80, s15, s14, $0xb8;
	[tilespmem:$0x1FD00] =	vst v63  }
0x7e: {  	s19 =	sadd.s32 $0x1, s19;
	_ =	swait.ge [sflag:s13], $0x4000  }
0x7f: {  	p0 =	sne.s32 s19, $0x7;
	[sflag:s13] =	ssyncset.done $0x0  }
.Ltmp3:
0x80: {  	[sflag:s13] =	ssyncadd.s32 $0xFFFFC000;
	(pc) =	sbr.rel @p0 .LBB2_6-.Ltmp3, $4  }
0x81: {  	[spmem:s2] =	stream.indirect.scatter.add.f32 [tilespmem:s16], [sflag:$0x1], $0x80, s17, s14, $0xb8;
	[tilespmem:$0x1FD00] =	vst v63  }
0x82: {  	_ =	swait.ge [sflag:s13], $0x4000  }
0x83: {  	[sflag:s13] =	ssyncset.done $0x0  }
0x84: {  	[sflag:s13] =	ssyncadd.s32 $0xFFFFC000  }
0x85: {  	s18 =	sshll.u32 s1, $0x6  }
0x86: {  	[bflag:$0x0] =	sbarrier.arrive $0xFFFF;
	s19 =	sshrl.u32 s7, $0x3;
	s18 =	sor.u32 $0x1C01, s18  }
0x87: {  	[hbm:s8], [sflag:s18] =	dma.local [spmem:s19], $0x3100  }
0x88: {  	_ =	swait.ge [sflag:s13], $0x3100  }
0x89: {  	[sflag:s13] =	ssyncset.done $0x0  }
0x8a: {  	[sflag:s13] =	ssyncadd.s32 $0xFFFFCF00  }
0x8b: {  	s20 =	sadd.s32 $0x0, s5;
	[bflag:$0x0] =	sbarrier.arrive $0xFFFF  }
0x8c: {  	[spmem:s20] =	stream.linear.scatter [tilespmem:s12], [sflag:$0x1], $0x1000, $0x38;
	[tilespmem:$0x1FD00] =	vst v63  }
0x8d: {  	s20 =	simm.s32 $0x4000;
	_ =	swait.ge [sflag:s13], $0x1000  }
.LBB2_10:
0x8e: {  	s21 =	sshra.s32 s20, $0x2;
	[sflag:s13] =	ssyncset.done $0x0;
	p0 =	sne.s32 s20, $0x60000  }
.Ltmp4:
0x8f: {  	s21 =	sadd.s32 s21, s5;
	[sflag:s13] =	ssyncadd.s32 $0xFFFFF000;
	(pc) =	sbr.rel @p0 .LBB2_10-.Ltmp4, $3  }
0x90: {  	[spmem:s21] =	stream.linear.scatter [tilespmem:s12], [sflag:$0x1], $0x1000, $0x38;
	[tilespmem:$0x1FD00] =	vst v63  }
0x91: {  	s20 =	sadd.s32 $0x4000, s20;
	_ =	sdelay $0x1  }
0x92: {  	_ =	swait.ge [sflag:s13], $0x1000  }
0x93: {  	[sflag:s13] =	ssyncset.done $0x0  }
0x94: {  	[sflag:s13] =	ssyncadd.s32 $0xFFFFF000  }
0x95: {  	s20 =	simm.s32 $0x0;
	s21 =	simm.s32 $0x0;
	[bflag:$0x0] =	sbarrier.arrive $0xFFFF  }
.LBB2_12:
0x96: {  	s22 =	smul.u32 $0x380, s21;
	_ =	sdelay $0x1  }
0x97: {  	s22 =	sadd.s32 s22, s9  }
0x98: {  	[tilespmem:s20], [sflag:$0x1] =	stream.linear.gather [hbm4b:s22+s20], $0x1C00, $0x38;
	[tilespmem:$0x1FD00] =	vst v63  }
0x99: {  	_ =	swait.ge [sflag:s13], $0x1C00  }
0x9a: {  	[sflag:s13] =	ssyncset.done $0x0  }
0x9b: {  	s31 =	simm.s32 $0x0;
	[sflag:s13] =	ssyncadd.s32 $0xFFFFE400  }
0x9c: {  	v1 =	vld [tilespmem:s31+$0x0];
	_ =	sdelay $0x4  }
0x9d: {  	v2 =	vand.u32 $0xFFFF, v1  }
0x9e: {  	v1 =	vshrl.u32 v1, $0x10;
	[tilespmem:$0x1C00] =	vst v2  }
0x9f: {  	[tilespmem:$0x1C80] =	vst v1  }
0xa0: {  	v1 =	vld [tilespmem:s31+$0x10];
	_ =	sdelay $0x4  }
0xa1: {  	v2 =	vand.u32 $0xFFFF, v1  }
0xa2: {  	v1 =	vshrl.u32 v1, $0x10;
	[tilespmem:$0x1C10] =	vst v2  }
0xa3: {  	[tilespmem:$0x1C90] =	vst v1  }
0xa4: {  	v1 =	vld [tilespmem:s31+$0x20];
	_ =	sdelay $0x4  }
0xa5: {  	v2 =	vand.u32 $0xFFFF, v1  }
0xa6: {  	v1 =	vshrl.u32 v1, $0x10;
	[tilespmem:$0x1C20] =	vst v2  }
0xa7: {  	[tilespmem:$0x1CA0] =	vst v1  }
0xa8: {  	v1 =	vld [tilespmem:s31+$0x30];
	_ =	sdelay $0x4  }
0xa9: {  	v2 =	vand.u32 $0xFFFF, v1  }
0xaa: {  	v1 =	vshrl.u32 v1, $0x10;
	[tilespmem:$0x1C30] =	vst v2  }
0xab: {  	[tilespmem:$0x1CB0] =	vst v1  }
0xac: {  	v1 =	vld [tilespmem:s31+$0x40];
	_ =	sdelay $0x4  }
0xad: {  	v2 =	vand.u32 $0xFFFF, v1  }
0xae: {  	v1 =	vshrl.u32 v1, $0x10;
	[tilespmem:$0x1C40] =	vst v2  }
0xaf: {  	[tilespmem:$0x1CC0] =	vst v1  }
0xb0: {  	v1 =	vld [tilespmem:s31+$0x50];
	_ =	sdelay $0x4  }
0xb1: {  	v2 =	vand.u32 $0xFFFF, v1  }
0xb2: {  	v1 =	vshrl.u32 v1, $0x10;
	[tilespmem:$0x1C50] =	vst v2  }
0xb3: {  	[tilespmem:$0x1CD0] =	vst v1  }
0xb4: {  	v1 =	vld [tilespmem:s31+$0x60];
	_ =	sdelay $0x4  }
0xb5: {  	v2 =	vand.u32 $0xFFFF, v1  }
0xb6: {  	v1 =	vshrl.u32 v1, $0x10;
	[tilespmem:$0x1C60] =	vst v2  }
0xb7: {  	[tilespmem:$0x1CE0] =	vst v1  }
0xb8: {  	v1 =	vld [tilespmem:s31+$0x70];
	_ =	sdelay $0x4  }
0xb9: {  	v2 =	vand.u32 $0xFFFF, v1  }
0xba: {  	s22 =	simm.s32 $0x200;
	v1 =	vshrl.u32 v1, $0x10;
	[tilespmem:$0x1C70] =	vst v2  }
.LBB2_13:
0xbb: {  	p0 =	sne.s32 s22, $0x6E00;
	[tilespmem:$0x1CF0] =	vst v1;
	s23 =	smov.u32 s22;
	s22 =	sadd.s32 $0x200, s22  }
0xbc: {  	[tilespmem:s16], [sflag:$0x1] =	stream.indirect.gather [hbm4b:s4+s14], $0x80, s15, s14, $0xb8;
	[tilespmem:$0x1FD00] =	vst v63  }
0xbd: {  	_ =	swait.ge [sflag:s13], $0x4000  }
0xbe: {  	[sflag:s13] =	ssyncset.done $0x0  }
0xbf: {  	[sflag:s13] =	ssyncadd.s32 $0xFFFFC000  }
0xc0: {  	[spmem:s2] =	stream.indirect.scatter.add.f32 [tilespmem:s16], [sflag:$0x1], $0x80, s17, s14, $0xb8;
	[tilespmem:$0x1FD00] =	vst v63  }
0xc1: {  	_ =	swait.ge [sflag:s13], $0x4000  }
0xc2: {  	[sflag:s13] =	ssyncset.done $0x0  }
0xc3: {  	s23 =	sshra.s32 s23, $0x2;
	[sflag:s13] =	ssyncadd.s32 $0xFFFFC000  }
0xc4: {  	v1 =	vld [tilespmem:s23+$0x0];
	_ =	sdelay $0x4  }
0xc5: {  	v2 =	vand.u32 $0xFFFF, v1;
	v1 =	vshrl.u32 v1, $0x10  }
0xc6: {  	[tilespmem:$0x1C00] =	vst v2  }
0xc7: {  	[tilespmem:$0x1C80] =	vst v1  }
0xc8: {  	v1 =	vld [tilespmem:s23+$0x10];
	_ =	sdelay $0x4  }
0xc9: {  	v2 =	vand.u32 $0xFFFF, v1;
	v1 =	vshrl.u32 v1, $0x10  }
0xca: {  	[tilespmem:$0x1C10] =	vst v2  }
0xcb: {  	[tilespmem:$0x1C90] =	vst v1  }
0xcc: {  	v1 =	vld [tilespmem:s23+$0x20];
	_ =	sdelay $0x4  }
0xcd: {  	v2 =	vand.u32 $0xFFFF, v1;
	v1 =	vshrl.u32 v1, $0x10  }
0xce: {  	[tilespmem:$0x1C20] =	vst v2  }
0xcf: {  	[tilespmem:$0x1CA0] =	vst v1  }
0xd0: {  	v1 =	vld [tilespmem:s23+$0x30];
	_ =	sdelay $0x4  }
0xd1: {  	v2 =	vand.u32 $0xFFFF, v1;
	v1 =	vshrl.u32 v1, $0x10  }
0xd2: {  	[tilespmem:$0x1C30] =	vst v2  }
0xd3: {  	[tilespmem:$0x1CB0] =	vst v1  }
0xd4: {  	v1 =	vld [tilespmem:s23+$0x40];
	_ =	sdelay $0x4  }
0xd5: {  	v2 =	vand.u32 $0xFFFF, v1;
	v1 =	vshrl.u32 v1, $0x10  }
0xd6: {  	[tilespmem:$0x1C40] =	vst v2  }
0xd7: {  	[tilespmem:$0x1CC0] =	vst v1  }
0xd8: {  	v1 =	vld [tilespmem:s23+$0x50];
	_ =	sdelay $0x4  }
0xd9: {  	v2 =	vand.u32 $0xFFFF, v1;
	v1 =	vshrl.u32 v1, $0x10  }
0xda: {  	[tilespmem:$0x1C50] =	vst v2  }
0xdb: {  	[tilespmem:$0x1CD0] =	vst v1  }
0xdc: {  	v1 =	vld [tilespmem:s23+$0x60];
	_ =	sdelay $0x4  }
0xdd: {  	v2 =	vand.u32 $0xFFFF, v1;
	v1 =	vshrl.u32 v1, $0x10  }
0xde: {  	[tilespmem:$0x1C60] =	vst v2  }
0xdf: {  	[tilespmem:$0x1CE0] =	vst v1  }
0xe0: {  	v1 =	vld [tilespmem:s23+$0x70];
	_ =	sdelay $0x1  }
.Ltmp5:
0xe1: {  	(pc) =	sbr.rel @p0 .LBB2_13-.Ltmp5, $3  }
0xe2: {  	_ =	sdelay $0x1  }
0xe3: {  	v2 =	vand.u32 $0xFFFF, v1;
	v1 =	vshrl.u32 v1, $0x10  }
0xe4: {  	[tilespmem:$0x1C70] =	vst v2  }
0xe5: {  	[tilespmem:$0x1CF0] =	vst v1  }
0xe6: {  	[tilespmem:s16], [sflag:$0x1] =	stream.indirect.gather [hbm4b:s4+s14], $0x80, s15, s14, $0xb8;
	[tilespmem:$0x1FD00] =	vst v63  }
0xe7: {  	s21 =	sadd.s32 $0x1, s21;
	_ =	swait.ge [sflag:s13], $0x4000  }
0xe8: {  	p0 =	sne.s32 s21, $0x7;
	[sflag:s13] =	ssyncset.done $0x0  }
.Ltmp6:
0xe9: {  	[sflag:s13] =	ssyncadd.s32 $0xFFFFC000;
	(pc) =	sbr.rel @p0 .LBB2_12-.Ltmp6, $4  }
0xea: {  	[spmem:s2] =	stream.indirect.scatter.add.f32 [tilespmem:s16], [sflag:$0x1], $0x80, s17, s14, $0xb8;
	[tilespmem:$0x1FD00] =	vst v63  }
0xeb: {  	_ =	swait.ge [sflag:s13], $0x4000  }
0xec: {  	[sflag:s13] =	ssyncset.done $0x0  }
0xed: {  	[sflag:s13] =	ssyncadd.s32 $0xFFFFC000  }
0xee: {  	[bflag:$0x0] =	sbarrier.arrive $0xFFFF;
	s3 =	sadd.s32 $0x1, s3  }
0xef: {  	[hbm:s10], [sflag:s18] =	dma.local [spmem:s19], $0x3100  }
0xf0: {  	p0 =	sne.s32 s3, s11  }
.Ltmp7:
0xf1: {  	_ =	swait.ge [sflag:s13], $0x3100;
	(pc) =	sbr.rel @p0 .LBB2_1-.Ltmp7, $3  }
0xf2: {  	[sflag:s13] =	ssyncset.done $0x0  }
0xf3: {  	[sflag:s13] =	ssyncadd.s32 $0xFFFFCF00  }
0xf4: {  	[bflag:$0x0] =	sbarrier.arrive $0xFFFF;
	_ =	sdelay $0x1  }
0xf5: {  	_ =	sfence.sel $0x180000  }
0xf6: {  	[bflag:$0x0] =	sbarrier.arrive $0xFFFF  }
0xf7: {  	p0 =	sne.s32 s1, $0x0;
	_ =	strace $0x90000047  }
0xf8: {  	s0 =	sadd.s32 @!p0 $0x100000, s0;
	[bflag:$0x2] =	sbarrier.arrive $0xFFFF  }
0xf9: {  	[sflag:s0] =	ssyncadd.tile.s32 @!p0 $0x1;
	_ =	shalt  }
.Lfunc_end2:
_tile_overlayer_lowered:
.L_overlay_start_2:
0xfa: {  	(tag) =	ssettag $0x2  }
0xfb: {  	s0 =	rddreg [dreg:$0x0];
	s2 =	stileid.u32  }
0xfc: {  	s1 =	rddreg [dreg:$0x1];
	p0 =	sne.s32 s2, $0x0  }
0xfd: {  	s3 =	rddreg [dreg:$0x2];
	[bflag:$0x3] =	sbarrier.arrive $0xFFFF;
	s2 =	simm.s32 @!p0 $0x1C01  }
0xfe: {  	[timem:s3], [sflag:s2] =	dma.local @!p0 [hbm:s0], s1  }
0xff: {  	s0 =	simm.s32 @!p0 $0x1  }
0x100: {  	_ =	swait.ge @!p0 [sflag:s0], s1  }
0x101: {  	s1 =	ssub.s32 @!p0 $0x0, s1;
	[sflag:s0] =	ssyncset.done @!p0 $0x0  }
0x102: {  	[sflag:s0] =	ssyncadd.s32 @!p0 s1  }
0x103: {  	[bflag:$0x3] =	sbarrier.arrive $0xFFFF  }
0x104: {  	_ =	shalt  }

</sc_bundles>
